<compile_context>
chip_gen: v7x
topology: tpu7x:2x2x1
jax: 0.10.2.dev20260603
libtpu: 0.0.44.dev20260713+nightly
codegen_flags: <defaults>
</compile_context>

<pallas_src>
import jax
import jax.numpy as jnp
from jax import lax
from jax.experimental import pallas as pl
from jax.experimental.pallas import tpu as pltpu
from jax.experimental.pallas import tpu_sc as plsc

_B = 128
_MARGIN = 1.0
_EPS = 1e-8
_NC, _NS, _L = 2, 16, 16
_NW = _NC * _NS
_APW = _B // _NW
_NV = _B // _L


def _tc_body(embs_ref, lab_col_ref, lab_row_ref, pc_ref):
    e = embs_ref[...]
    g = lax.dot_general(e, e, (((1,), (1,)), ((), ())),
                        preferred_element_type=jnp.float32)
    n2c = jnp.sum(e * e, axis=1, keepdims=True)
    riota = lax.broadcasted_iota(jnp.int32, (_B, _B), 0)
    ciota = lax.broadcasted_iota(jnp.int32, (_B, _B), 1)
    diag_n2 = jnp.where(riota == ciota, jnp.broadcast_to(n2c, (_B, _B)), 0.0)
    n2r = lax.dot_general(jnp.ones((_B, _B), jnp.float32), diag_n2,
                          (((1,), (0,)), ((), ())),
                          preferred_element_type=jnp.float32)
    denom = jnp.maximum(jnp.sqrt(jnp.broadcast_to(n2c, (_B, _B)) * n2r), _EPS)
    s = g / denom

    same = jnp.broadcast_to(lab_col_ref[...], (_B, _B)) == \
        jnp.broadcast_to(lab_row_ref[...], (_B, _B))
    gt = ciota > riota
    pc_ref[...] = jnp.concatenate(
        [jnp.where(gt & same, s, 3.0),
         jnp.where(gt & (~same), s + _MARGIN, -3.0)], axis=1)


def _sc_body(pc_hbm, out_hbm, pc_v, pv, posb):
    wid = lax.axis_index("s") * _NC + lax.axis_index("c")
    pltpu.sync_copy(pc_hbm.at[wid], pc_v)
    def abody(a, accs):
        nn = [pc_v[pl.ds(a * 2 * _B + _B + v * _L, _L)] for v in range(_NV)]
        npos = jnp.int32(0)
        for v in range(_NV):
            w16 = pc_v[pl.ds(a * 2 * _B + v * _L, _L)]
            m = w16 < 2.0
            rank = plsc.cumsum(m.astype(jnp.int32)) - 1
            plsc.store_scatter(posb, [rank + npos], w16, mask=m)
            npos = npos + lax.reduce_max(
                plsc.all_reduce_population_count(m), (0,))

        def jbody(j, accs, nn=nn):
            p = plsc.load_gather(posb, [jnp.full((_L,), 0, jnp.int32) + j])
            return tuple(accs[v] + jnp.maximum(nn[v] - p, 0.0)
                         for v in range(_NV))

        return lax.fori_loop(0, npos, jbody, accs)

    accs = lax.fori_loop(0, _APW, abody,
                         (jnp.zeros((_L,), jnp.float32),) * _NV)
    tot = accs[0]
    for v in range(1, _NV):
        tot = tot + accs[v]
    pv[...] = tot
    pltpu.sync_copy(pv, out_hbm.at[wid])


def kernel(embs, indices):
    lab = indices.astype(jnp.int32)
    pc = pl.pallas_call(
        _tc_body,
        out_shape=jax.ShapeDtypeStruct((_B, 2 * _B), jnp.float32),
    )(embs, lab.reshape(_B, 1), lab.reshape(1, _B))

    sc = pl.kernel(
        _sc_body,
        out_type=jax.ShapeDtypeStruct((_NW, _L), jnp.float32),
        mesh=plsc.VectorSubcoreMesh(core_axis_name="c", subcore_axis_name="s",
                                    num_cores=_NC, num_subcores=_NS),
        compiler_params=pltpu.CompilerParams(needs_layout_passes=False),
        scratch_types=[
            pltpu.VMEM((_APW * 2 * _B,), jnp.float32),
            pltpu.VMEM((_L,), jnp.float32),
            pltpu.VMEM((_B + _L,), jnp.float32),
        ],
    )
    partials = sc(pc.reshape(_NW, _APW * 2 * _B))
    return jnp.sum(partials)

# --- scband reference (transcript-rebuilt; emitter-appended) ---
"""Pipeline reference for scband-triplet-loss-10325101379760 (READ-ONLY COPY).

The authoritative reference and input builder live on the scoring server;
editing this copy changes nothing except your own understanding.
"""

import jax, jax.numpy as jnp
import numpy as np


def setup_inputs(seed: int = 0) -> dict:
    key = jax.random.key(seed)
    k1, k2 = jax.random.split(key)
    embs = jax.random.normal(k1, (128, 1024), dtype=jnp.float32)
    indices = jax.random.randint(k2, (128,), 0, 16, dtype=jnp.int64 if jax.config.jax_enable_x64 else jnp.int32)
    return {"embs": embs, "indices": indices}


def reference(embs, indices):
    # Faithful vectorization of the O(B^3) triplet loop:
    # for each anchor i, pos j (j>i, lab[j]==lab[i]), neg k (k>i, lab[k]!=lab[i]):
    #   loss += relu((1 - cos(i,j)) - (1 - cos(i,k)) + margin)
    #         = relu(cos(i,k) - cos(i,j) + margin)
    margin = 1.0
    eps = 1e-8
    B = embs.shape[0]
    norms = jnp.sqrt(jnp.sum(embs * embs, axis=1))
    denom = jnp.maximum(norms[:, None] * norms[None, :], eps)
    S = (embs @ embs.T) / denom  # cosine similarity matrix [B, B]
    lab = indices
    pos_idx = jnp.arange(B)
    gt = pos_idx[None, :] > pos_idx[:, None]          # j > i
    same = lab[None, :] == lab[:, None]               # same label
    pos_mask = gt & same                               # [i, j]
    neg_mask = gt & (~same)                            # [i, k]
    # T[i, j, k] = relu(S[i,k] - S[i,j] + margin)
    T = jax.nn.relu(S[:, None, :] - S[:, :, None] + margin)
    mask = pos_mask[:, :, None] & neg_mask[:, None, :]
    return jnp.sum(jnp.where(mask, T, 0.0))

if __name__ == "__main__":
    import jax
    _d = setup_inputs()
    print(jax.jit(kernel)(*tuple(_d.values())))

</pallas_src>

<mosaic_0001>
#map = affine_map<(d0, d1) -> (0, 0)>
module attributes {stable_mosaic.version = 14 : i64} {
  func.func @_sc_body(%arg0: i32, %arg1: i32, %arg2: memref<32x1024xf32, #tpu.memory_space<hbm>>, %arg3: memref<32x16xf32, #tpu.memory_space<hbm>>, %arg4: memref<1024xf32, #tpu.memory_space<vmem>>, %arg5: memref<16xf32, #tpu.memory_space<vmem>>, %arg6: memref<144xf32, #tpu.memory_space<vmem>>) attributes {dimension_semantics = [#tpu.dimension_semantics<core_parallel>, #tpu.dimension_semantics<subcore_parallel>], iteration_bounds = array<i64: 2, 16>, scalar_prefetch = 0 : i64, scratch_operands = 3 : i64, tpu.core_type = #tpu.core_type<sc_vector_subcore>, window_params = [{transform_indices = #map}, {transform_indices = #map}]} {
    %mul3A = arith.constant 2 : i32
    %mul3A_0 = arith.muli %arg1, %mul3A : i32
    %add3A = arith.addi %mul3A_0, %arg0 : i32
    "tpu.region"() ({
      %run_scoped3A = tpu.sem_alloc : memref<!tpu.dma_semaphore, #tpu.memory_space<semaphore_mem>>
      %dma_start3A = arith.constant 0 : i32
      %dma_start3A_15 = tpu.memref_slice %arg2[%add3A, %dma_start3A] : memref<32x1024xf32, #tpu.memory_space<hbm>> -> memref<1x1024xf32, #tpu.memory_space<hbm>>
      %dma_start3A_16 = tpu.memref_squeeze %dma_start3A_15 : memref<1x1024xf32, #tpu.memory_space<hbm>> -> memref<1024xf32, #tpu.memory_space<hbm>>
      %dma_start3A_17 = arith.constant 0 : i32
      %dma_start3A_18 = tpu.memref_slice %arg2[%add3A, %dma_start3A_17] : memref<32x1024xf32, #tpu.memory_space<hbm>> -> memref<1x1024xf32, #tpu.memory_space<hbm>>
      %dma_start3A_19 = tpu.memref_squeeze %dma_start3A_18 : memref<1x1024xf32, #tpu.memory_space<hbm>> -> memref<1024xf32, #tpu.memory_space<hbm>>
      tpu.enqueue_dma source(%dma_start3A_19 : memref<1024xf32, #tpu.memory_space<hbm>>) target(%arg4 : memref<1024xf32, #tpu.memory_space<vmem>>) target_semaphore(%run_scoped3A : memref<!tpu.dma_semaphore, #tpu.memory_space<semaphore_mem>>)
      %dma_wait3A = arith.constant 0 : i32
      %dma_wait3A_20 = tpu.memref_slice %arg2[%add3A, %dma_wait3A] : memref<32x1024xf32, #tpu.memory_space<hbm>> -> memref<1x1024xf32, #tpu.memory_space<hbm>>
      %dma_wait3A_21 = tpu.memref_squeeze %dma_wait3A_20 : memref<1x1024xf32, #tpu.memory_space<hbm>> -> memref<1024xf32, #tpu.memory_space<hbm>>
      %dma_wait3A_22 = arith.constant 0 : i32
      %dma_wait3A_23 = tpu.memref_slice %arg2[%add3A, %dma_wait3A_22] : memref<32x1024xf32, #tpu.memory_space<hbm>> -> memref<1x1024xf32, #tpu.memory_space<hbm>>
      %dma_wait3A_24 = tpu.memref_squeeze %dma_wait3A_23 : memref<1x1024xf32, #tpu.memory_space<hbm>> -> memref<1024xf32, #tpu.memory_space<hbm>>
      tpu.wait_dma2 semaphore(%run_scoped3A : memref<!tpu.dma_semaphore, #tpu.memory_space<semaphore_mem>>) src(%dma_wait3A_24 : memref<1024xf32, #tpu.memory_space<hbm>>) dst(%arg4 : memref<1024xf32, #tpu.memory_space<vmem>>)
      tpu.yield
    }) : () -> ()
    %broadcast_in_dim3A = arith.constant 0.000000e+00 : f32
    %broadcast_in_dim3A_1 = vector.broadcast %broadcast_in_dim3A : f32 to vector<16xf32>
    %scan3A = arith.constant 0 : i32
    %scan3A_2 = arith.constant 4 : i32
    %scan3A_3 = arith.addi %scan3A, %scan3A_2 : i32
    %scan3A_4 = arith.constant 1 : i32
    %scan3A_5:8 = scf.for %scan3A_15 = %scan3A to %scan3A_3 step %scan3A_4 iter_args(%scan3A_16 = %broadcast_in_dim3A_1, %scan3A_17 = %broadcast_in_dim3A_1, %scan3A_18 = %broadcast_in_dim3A_1, %scan3A_19 = %broadcast_in_dim3A_1, %scan3A_20 = %broadcast_in_dim3A_1, %scan3A_21 = %broadcast_in_dim3A_1, %scan3A_22 = %broadcast_in_dim3A_1, %scan3A_23 = %broadcast_in_dim3A_1) -> (vector<16xf32>, vector<16xf32>, vector<16xf32>, vector<16xf32>, vector<16xf32>, vector<16xf32>, vector<16xf32>, vector<16xf32>)  : i32 {
      %mul3A_24 = arith.constant 2 : i32
      %mul3A_25 = arith.muli %scan3A_15, %mul3A_24 : i32
      %mul3A_26 = arith.constant 128 : i32
      %mul3A_27 = arith.muli %mul3A_25, %mul3A_26 : i32
      %add3A_28 = arith.constant 128 : i32
      %add3A_29 = arith.addi %mul3A_27, %add3A_28 : i32
      %add3A_30 = arith.constant 0 : i32
      %add3A_31 = arith.addi %add3A_29, %add3A_30 : i32
      %get3A = arith.index_cast %add3A_31 : i32 to index
      %get3A_32 = tpu.vector_load %arg4[%get3A] {strides = array<i32>} : memref<1024xf32, #tpu.memory_space<vmem>>, vector<16xf32>,
      %mul3A_33 = arith.constant 2 : i32
      %mul3A_34 = arith.muli %scan3A_15, %mul3A_33 : i32
      %mul3A_35 = arith.constant 128 : i32
      %mul3A_36 = arith.muli %mul3A_34, %mul3A_35 : i32
      %add3A_37 = arith.constant 128 : i32
      %add3A_38 = arith.addi %mul3A_36, %add3A_37 : i32
      %add3A_39 = arith.constant 16 : i32
      %add3A_40 = arith.addi %add3A_38, %add3A_39 : i32
      %get3A_41 = arith.index_cast %add3A_40 : i32 to index
      %get3A_42 = tpu.vector_load %arg4[%get3A_41] {strides = array<i32>} : memref<1024xf32, #tpu.memory_space<vmem>>, vector<16xf32>,
      %mul3A_43 = arith.constant 2 : i32
      %mul3A_44 = arith.muli %scan3A_15, %mul3A_43 : i32
      %mul3A_45 = arith.constant 128 : i32
      %mul3A_46 = arith.muli %mul3A_44, %mul3A_45 : i32
      %add3A_47 = arith.constant 128 : i32
      %add3A_48 = arith.addi %mul3A_46, %add3A_47 : i32
      %add3A_49 = arith.constant 32 : i32
      %add3A_50 = arith.addi %add3A_48, %add3A_49 : i32
      %get3A_51 = arith.index_cast %add3A_50 : i32 to index
      %get3A_52 = tpu.vector_load %arg4[%get3A_51] {strides = array<i32>} : memref<1024xf32, #tpu.memory_space<vmem>>, vector<16xf32>,
      %mul3A_53 = arith.constant 2 : i32
      %mul3A_54 = arith.muli %scan3A_15, %mul3A_53 : i32
      %mul3A_55 = arith.constant 128 : i32
      %mul3A_56 = arith.muli %mul3A_54, %mul3A_55 : i32
      %add3A_57 = arith.constant 128 : i32
      %add3A_58 = arith.addi %mul3A_56, %add3A_57 : i32
      %add3A_59 = arith.constant 48 : i32
      %add3A_60 = arith.addi %add3A_58, %add3A_59 : i32
      %get3A_61 = arith.index_cast %add3A_60 : i32 to index
      %get3A_62 = tpu.vector_load %arg4[%get3A_61] {strides = array<i32>} : memref<1024xf32, #tpu.memory_space<vmem>>, vector<16xf32>,
      %mul3A_63 = arith.constant 2 : i32
      %mul3A_64 = arith.muli %scan3A_15, %mul3A_63 : i32
      %mul3A_65 = arith.constant 128 : i32
      %mul3A_66 = arith.muli %mul3A_64, %mul3A_65 : i32
      %add3A_67 = arith.constant 128 : i32
      %add3A_68 = arith.addi %mul3A_66, %add3A_67 : i32
      %add3A_69 = arith.constant 64 : i32
      %add3A_70 = arith.addi %add3A_68, %add3A_69 : i32
      %get3A_71 = arith.index_cast %add3A_70 : i32 to index
      %get3A_72 = tpu.vector_load %arg4[%get3A_71] {strides = array<i32>} : memref<1024xf32, #tpu.memory_space<vmem>>, vector<16xf32>,
      %mul3A_73 = arith.constant 2 : i32
      %mul3A_74 = arith.muli %scan3A_15, %mul3A_73 : i32
      %mul3A_75 = arith.constant 128 : i32
      %mul3A_76 = arith.muli %mul3A_74, %mul3A_75 : i32
      %add3A_77 = arith.constant 128 : i32
      %add3A_78 = arith.addi %mul3A_76, %add3A_77 : i32
      %add3A_79 = arith.constant 80 : i32
      %add3A_80 = arith.addi %add3A_78, %add3A_79 : i32
      %get3A_81 = arith.index_cast %add3A_80 : i32 to index
      %get3A_82 = tpu.vector_load %arg4[%get3A_81] {strides = array<i32>} : memref<1024xf32, #tpu.memory_space<vmem>>, vector<16xf32>,
      %mul3A_83 = arith.constant 2 : i32
      %mul3A_84 = arith.muli %scan3A_15, %mul3A_83 : i32
      %mul3A_85 = arith.constant 128 : i32
      %mul3A_86 = arith.muli %mul3A_84, %mul3A_85 : i32
      %add3A_87 = arith.constant 128 : i32
      %add3A_88 = arith.addi %mul3A_86, %add3A_87 : i32
      %add3A_89 = arith.constant 96 : i32
      %add3A_90 = arith.addi %add3A_88, %add3A_89 : i32
      %get3A_91 = arith.index_cast %add3A_90 : i32 to index
      %get3A_92 = tpu.vector_load %arg4[%get3A_91] {strides = array<i32>} : memref<1024xf32, #tpu.memory_space<vmem>>, vector<16xf32>,
      %mul3A_93 = arith.constant 2 : i32
      %mul3A_94 = arith.muli %scan3A_15, %mul3A_93 : i32
      %mul3A_95 = arith.constant 128 : i32
      %mul3A_96 = arith.muli %mul3A_94, %mul3A_95 : i32
      %add3A_97 = arith.constant 128 : i32
      %add3A_98 = arith.addi %mul3A_96, %add3A_97 : i32
      %add3A_99 = arith.constant 112 : i32
      %add3A_100 = arith.addi %add3A_98, %add3A_99 : i32
      %get3A_101 = arith.index_cast %add3A_100 : i32 to index
      %get3A_102 = tpu.vector_load %arg4[%get3A_101] {strides = array<i32>} : memref<1024xf32, #tpu.memory_space<vmem>>, vector<16xf32>,
      %mul3A_103 = arith.constant 2 : i32
      %mul3A_104 = arith.muli %scan3A_15, %mul3A_103 : i32
      %mul3A_105 = arith.constant 128 : i32
      %mul3A_106 = arith.muli %mul3A_104, %mul3A_105 : i32
      %add3A_107 = arith.constant 0 : i32
      %add3A_108 = arith.addi %mul3A_106, %add3A_107 : i32
      %get3A_109 = arith.index_cast %add3A_108 : i32 to index
      %get3A_110 = tpu.vector_load %arg4[%get3A_109] {strides = array<i32>} : memref<1024xf32, #tpu.memory_space<vmem>>, vector<16xf32>,
      %lt3A = arith.constant 2.000000e+00 : f32
      %lt3A_111 = vector.broadcast %lt3A : f32 to vector<16xf32>
      %lt3A_112 = arith.cmpf olt, %get3A_110, %lt3A_111 : vector<16xf32>
      %convert_element_type3A = arith.extui %lt3A_112 : vector<16xi1> to vector<16xi32>
      %broadcast_in_dim3A_113 = arith.constant true
      %broadcast_in_dim3A_114 = vector.broadcast %broadcast_in_dim3A_113 : i1 to vector<16xi1>
      %masked_cumsum3A = tpu.scan <sum>, %convert_element_type3A masked %broadcast_in_dim3A_114 : vector<16xi32>, vector<16xi1> -> vector<16xi32>
      %sub3A = arith.constant 1 : i32
      %sub3A_115 = vector.broadcast %sub3A : i32 to vector<16xi32>
      %sub3A_116 = arith.subi %masked_cumsum3A, %sub3A_115 : vector<16xi32>
      %add3A_117 = arith.constant 0 : i32
      %add3A_118 = vector.broadcast %add3A_117 : i32 to vector<16xi32>
      %add3A_119 = arith.addi %sub3A_116, %add3A_118 : vector<16xi32>
      tpu.vector_store_idx %arg6[%add3A_119], %get3A_110 masked %lt3A_112 : memref<144xf32, #tpu.memory_space<vmem>>[vector<16xi32>], vector<16xf32>, vector<16xi1>
      %all_reduce_population_count3A = tpu.all_reduce %lt3A_112 {dim = 0 : i64, kind = #tpu.reduction_kind<sum>} : vector<16xi1> -> vector<16xi32>
      %reduce_max3A = arith.constant true
      %reduce_max3A_120 = vector.broadcast %reduce_max3A : i1 to vector<16xi1>
      %reduce_max3A_121 = arith.constant -2147483648 : i32
      %reduce_max3A_122 = vector.broadcast %reduce_max3A_121 : i32 to vector<16xi32>
      %reduce_max3A_123 = arith.xori %all_reduce_population_count3A, %reduce_max3A_122 : vector<16xi32>
      %reduce_max3A_124 = tpu.scan <max>, %reduce_max3A_123 masked %reduce_max3A_120 : vector<16xi32>, vector<16xi1> -> vector<16xi32>
      %reduce_max3A_125 = arith.xori %reduce_max3A_124, %reduce_max3A_122 : vector<16xi32>
      %reduce_max3A_126 = vector.extract %reduce_max3A_125[15] : i32 from vector<16xi32>
      %add3A_127 = arith.constant 0 : i32
      %add3A_128 = arith.addi %add3A_127, %reduce_max3A_126 : i32
      %mul3A_129 = arith.constant 2 : i32
      %mul3A_130 = arith.muli %scan3A_15, %mul3A_129 : i32
      %mul3A_131 = arith.constant 128 : i32
      %mul3A_132 = arith.muli %mul3A_130, %mul3A_131 : i32
      %add3A_133 = arith.constant 16 : i32
      %add3A_134 = arith.addi %mul3A_132, %add3A_133 : i32
      %get3A_135 = arith.index_cast %add3A_134 : i32 to index
      %get3A_136 = tpu.vector_load %arg4[%get3A_135] {strides = array<i32>} : memref<1024xf32, #tpu.memory_space<vmem>>, vector<16xf32>,
      %lt3A_137 = arith.constant 2.000000e+00 : f32
      %lt3A_138 = vector.broadcast %lt3A_137 : f32 to vector<16xf32>
      %lt3A_139 = arith.cmpf olt, %get3A_136, %lt3A_138 : vector<16xf32>
      %convert_element_type3A_140 = arith.extui %lt3A_139 : vector<16xi1> to vector<16xi32>
      %broadcast_in_dim3A_141 = arith.constant true
      %broadcast_in_dim3A_142 = vector.broadcast %broadcast_in_dim3A_141 : i1 to vector<16xi1>
      %masked_cumsum3A_143 = tpu.scan <sum>, %convert_element_type3A_140 masked %broadcast_in_dim3A_142 : vector<16xi32>, vector<16xi1> -> vector<16xi32>
      %sub3A_144 = arith.constant 1 : i32
      %sub3A_145 = vector.broadcast %sub3A_144 : i32 to vector<16xi32>
      %sub3A_146 = arith.subi %masked_cumsum3A_143, %sub3A_145 : vector<16xi32>
      %add3A_147 = vector.broadcast %add3A_128 : i32 to vector<16xi32>
      %add3A_148 = arith.addi %sub3A_146, %add3A_147 : vector<16xi32>
      tpu.vector_store_idx %arg6[%add3A_148], %get3A_136 masked %lt3A_139 : memref<144xf32, #tpu.memory_space<vmem>>[vector<16xi32>], vector<16xf32>, vector<16xi1>
      %all_reduce_population_count3A_149 = tpu.all_reduce %lt3A_139 {dim = 0 : i64, kind = #tpu.reduction_kind<sum>} : vector<16xi1> -> vector<16xi32>
      %reduce_max3A_150 = arith.constant true
      %reduce_max3A_151 = vector.broadcast %reduce_max3A_150 : i1 to vector<16xi1>
      %reduce_max3A_152 = arith.constant -2147483648 : i32
      %reduce_max3A_153 = vector.broadcast %reduce_max3A_152 : i32 to vector<16xi32>
      %reduce_max3A_154 = arith.xori %all_reduce_population_count3A_149, %reduce_max3A_153 : vector<16xi32>
      %reduce_max3A_155 = tpu.scan <max>, %reduce_max3A_154 masked %reduce_max3A_151 : vector<16xi32>, vector<16xi1> -> vector<16xi32>
      %reduce_max3A_156 = arith.xori %reduce_max3A_155, %reduce_max3A_153 : vector<16xi32>
      %reduce_max3A_157 = vector.extract %reduce_max3A_156[15] : i32 from vector<16xi32>
      %add3A_158 = arith.addi %add3A_128, %reduce_max3A_157 : i32
      %mul3A_159 = arith.constant 2 : i32
      %mul3A_160 = arith.muli %scan3A_15, %mul3A_159 : i32
      %mul3A_161 = arith.constant 128 : i32
      %mul3A_162 = arith.muli %mul3A_160, %mul3A_161 : i32
      %add3A_163 = arith.constant 32 : i32
      %add3A_164 = arith.addi %mul3A_162, %add3A_163 : i32
      %get3A_165 = arith.index_cast %add3A_164 : i32 to index
      %get3A_166 = tpu.vector_load %arg4[%get3A_165] {strides = array<i32>} : memref<1024xf32, #tpu.memory_space<vmem>>, vector<16xf32>,
      %lt3A_167 = arith.constant 2.000000e+00 : f32
      %lt3A_168 = vector.broadcast %lt3A_167 : f32 to vector<16xf32>
      %lt3A_169 = arith.cmpf olt, %get3A_166, %lt3A_168 : vector<16xf32>
      %convert_element_type3A_170 = arith.extui %lt3A_169 : vector<16xi1> to vector<16xi32>
      %broadcast_in_dim3A_171 = arith.constant true
      %broadcast_in_dim3A_172 = vector.broadcast %broadcast_in_dim3A_171 : i1 to vector<16xi1>
      %masked_cumsum3A_173 = tpu.scan <sum>, %convert_element_type3A_170 masked %broadcast_in_dim3A_172 : vector<16xi32>, vector<16xi1> -> vector<16xi32>
      %sub3A_174 = arith.constant 1 : i32
      %sub3A_175 = vector.broadcast %sub3A_174 : i32 to vector<16xi32>
      %sub3A_176 = arith.subi %masked_cumsum3A_173, %sub3A_175 : vector<16xi32>
      %add3A_177 = vector.broadcast %add3A_158 : i32 to vector<16xi32>
      %add3A_178 = arith.addi %sub3A_176, %add3A_177 : vector<16xi32>
      tpu.vector_store_idx %arg6[%add3A_178], %get3A_166 masked %lt3A_169 : memref<144xf32, #tpu.memory_space<vmem>>[vector<16xi32>], vector<16xf32>, vector<16xi1>
      %all_reduce_population_count3A_179 = tpu.all_reduce %lt3A_169 {dim = 0 : i64, kind = #tpu.reduction_kind<sum>} : vector<16xi1> -> vector<16xi32>
      %reduce_max3A_180 = arith.constant true
      %reduce_max3A_181 = vector.broadcast %reduce_max3A_180 : i1 to vector<16xi1>
      %reduce_max3A_182 = arith.constant -2147483648 : i32
      %reduce_max3A_183 = vector.broadcast %reduce_max3A_182 : i32 to vector<16xi32>
      %reduce_max3A_184 = arith.xori %all_reduce_population_count3A_179, %reduce_max3A_183 : vector<16xi32>
      %reduce_max3A_185 = tpu.scan <max>, %reduce_max3A_184 masked %reduce_max3A_181 : vector<16xi32>, vector<16xi1> -> vector<16xi32>
      %reduce_max3A_186 = arith.xori %reduce_max3A_185, %reduce_max3A_183 : vector<16xi32>
      %reduce_max3A_187 = vector.extract %reduce_max3A_186[15] : i32 from vector<16xi32>
      %add3A_188 = arith.addi %add3A_158, %reduce_max3A_187 : i32
      %mul3A_189 = arith.constant 2 : i32
      %mul3A_190 = arith.muli %scan3A_15, %mul3A_189 : i32
      %mul3A_191 = arith.constant 128 : i32
      %mul3A_192 = arith.muli %mul3A_190, %mul3A_191 : i32
      %add3A_193 = arith.constant 48 : i32
      %add3A_194 = arith.addi %mul3A_192, %add3A_193 : i32
      %get3A_195 = arith.index_cast %add3A_194 : i32 to index
      %get3A_196 = tpu.vector_load %arg4[%get3A_195] {strides = array<i32>} : memref<1024xf32, #tpu.memory_space<vmem>>, vector<16xf32>,
      %lt3A_197 = arith.constant 2.000000e+00 : f32
      %lt3A_198 = vector.broadcast %lt3A_197 : f32 to vector<16xf32>
      %lt3A_199 = arith.cmpf olt, %get3A_196, %lt3A_198 : vector<16xf32>
      %convert_element_type3A_200 = arith.extui %lt3A_199 : vector<16xi1> to vector<16xi32>
      %broadcast_in_dim3A_201 = arith.constant true
      %broadcast_in_dim3A_202 = vector.broadcast %broadcast_in_dim3A_201 : i1 to vector<16xi1>
      %masked_cumsum3A_203 = tpu.scan <sum>, %convert_element_type3A_200 masked %broadcast_in_dim3A_202 : vector<16xi32>, vector<16xi1> -> vector<16xi32>
      %sub3A_204 = arith.constant 1 : i32
      %sub3A_205 = vector.broadcast %sub3A_204 : i32 to vector<16xi32>
      %sub3A_206 = arith.subi %masked_cumsum3A_203, %sub3A_205 : vector<16xi32>
      %add3A_207 = vector.broadcast %add3A_188 : i32 to vector<16xi32>
      %add3A_208 = arith.addi %sub3A_206, %add3A_207 : vector<16xi32>
      tpu.vector_store_idx %arg6[%add3A_208], %get3A_196 masked %lt3A_199 : memref<144xf32, #tpu.memory_space<vmem>>[vector<16xi32>], vector<16xf32>, vector<16xi1>
      %all_reduce_population_count3A_209 = tpu.all_reduce %lt3A_199 {dim = 0 : i64, kind = #tpu.reduction_kind<sum>} : vector<16xi1> -> vector<16xi32>
      %reduce_max3A_210 = arith.constant true
      %reduce_max3A_211 = vector.broadcast %reduce_max3A_210 : i1 to vector<16xi1>
      %reduce_max3A_212 = arith.constant -2147483648 : i32
      %reduce_max3A_213 = vector.broadcast %reduce_max3A_212 : i32 to vector<16xi32>
      %reduce_max3A_214 = arith.xori %all_reduce_population_count3A_209, %reduce_max3A_213 : vector<16xi32>
      %reduce_max3A_215 = tpu.scan <max>, %reduce_max3A_214 masked %reduce_max3A_211 : vector<16xi32>, vector<16xi1> -> vector<16xi32>
      %reduce_max3A_216 = arith.xori %reduce_max3A_215, %reduce_max3A_213 : vector<16xi32>
      %reduce_max3A_217 = vector.extract %reduce_max3A_216[15] : i32 from vector<16xi32>
      %add3A_218 = arith.addi %add3A_188, %reduce_max3A_217 : i32
      %mul3A_219 = arith.constant 2 : i32
      %mul3A_220 = arith.muli %scan3A_15, %mul3A_219 : i32
      %mul3A_221 = arith.constant 128 : i32
      %mul3A_222 = arith.muli %mul3A_220, %mul3A_221 : i32
      %add3A_223 = arith.constant 64 : i32
      %add3A_224 = arith.addi %mul3A_222, %add3A_223 : i32
      %get3A_225 = arith.index_cast %add3A_224 : i32 to index
      %get3A_226 = tpu.vector_load %arg4[%get3A_225] {strides = array<i32>} : memref<1024xf32, #tpu.memory_space<vmem>>, vector<16xf32>,
      %lt3A_227 = arith.constant 2.000000e+00 : f32
      %lt3A_228 = vector.broadcast %lt3A_227 : f32 to vector<16xf32>
      %lt3A_229 = arith.cmpf olt, %get3A_226, %lt3A_228 : vector<16xf32>
      %convert_element_type3A_230 = arith.extui %lt3A_229 : vector<16xi1> to vector<16xi32>
      %broadcast_in_dim3A_231 = arith.constant true
      %broadcast_in_dim3A_232 = vector.broadcast %broadcast_in_dim3A_231 : i1 to vector<16xi1>
      %masked_cumsum3A_233 = tpu.scan <sum>, %convert_element_type3A_230 masked %broadcast_in_dim3A_232 : vector<16xi32>, vector<16xi1> -> vector<16xi32>
      %sub3A_234 = arith.constant 1 : i32
      %sub3A_235 = vector.broadcast %sub3A_234 : i32 to vector<16xi32>
      %sub3A_236 = arith.subi %masked_cumsum3A_233, %sub3A_235 : vector<16xi32>
      %add3A_237 = vector.broadcast %add3A_218 : i32 to vector<16xi32>
      %add3A_238 = arith.addi %sub3A_236, %add3A_237 : vector<16xi32>
      tpu.vector_store_idx %arg6[%add3A_238], %get3A_226 masked %lt3A_229 : memref<144xf32, #tpu.memory_space<vmem>>[vector<16xi32>], vector<16xf32>, vector<16xi1>
      %all_reduce_population_count3A_239 = tpu.all_reduce %lt3A_229 {dim = 0 : i64, kind = #tpu.reduction_kind<sum>} : vector<16xi1> -> vector<16xi32>
      %reduce_max3A_240 = arith.constant true
      %reduce_max3A_241 = vector.broadcast %reduce_max3A_240 : i1 to vector<16xi1>
      %reduce_max3A_242 = arith.constant -2147483648 : i32
      %reduce_max3A_243 = vector.broadcast %reduce_max3A_242 : i32 to vector<16xi32>
      %reduce_max3A_244 = arith.xori %all_reduce_population_count3A_239, %reduce_max3A_243 : vector<16xi32>
      %reduce_max3A_245 = tpu.scan <max>, %reduce_max3A_244 masked %reduce_max3A_241 : vector<16xi32>, vector<16xi1> -> vector<16xi32>
      %reduce_max3A_246 = arith.xori %reduce_max3A_245, %reduce_max3A_243 : vector<16xi32>
      %reduce_max3A_247 = vector.extract %reduce_max3A_246[15] : i32 from vector<16xi32>
      %add3A_248 = arith.addi %add3A_218, %reduce_max3A_247 : i32
      %mul3A_249 = arith.constant 2 : i32
      %mul3A_250 = arith.muli %scan3A_15, %mul3A_249 : i32
      %mul3A_251 = arith.constant 128 : i32
      %mul3A_252 = arith.muli %mul3A_250, %mul3A_251 : i32
      %add3A_253 = arith.constant 80 : i32
      %add3A_254 = arith.addi %mul3A_252, %add3A_253 : i32
      %get3A_255 = arith.index_cast %add3A_254 : i32 to index
      %get3A_256 = tpu.vector_load %arg4[%get3A_255] {strides = array<i32>} : memref<1024xf32, #tpu.memory_space<vmem>>, vector<16xf32>,
      %lt3A_257 = arith.constant 2.000000e+00 : f32
      %lt3A_258 = vector.broadcast %lt3A_257 : f32 to vector<16xf32>
      %lt3A_259 = arith.cmpf olt, %get3A_256, %lt3A_258 : vector<16xf32>
      %convert_element_type3A_260 = arith.extui %lt3A_259 : vector<16xi1> to vector<16xi32>
      %broadcast_in_dim3A_261 = arith.constant true
      %broadcast_in_dim3A_262 = vector.broadcast %broadcast_in_dim3A_261 : i1 to vector<16xi1>
      %masked_cumsum3A_263 = tpu.scan <sum>, %convert_element_type3A_260 masked %broadcast_in_dim3A_262 : vector<16xi32>, vector<16xi1> -> vector<16xi32>
      %sub3A_264 = arith.constant 1 : i32
      %sub3A_265 = vector.broadcast %sub3A_264 : i32 to vector<16xi32>
      %sub3A_266 = arith.subi %masked_cumsum3A_263, %sub3A_265 : vector<16xi32>
      %add3A_267 = vector.broadcast %add3A_248 : i32 to vector<16xi32>
      %add3A_268 = arith.addi %sub3A_266, %add3A_267 : vector<16xi32>
      tpu.vector_store_idx %arg6[%add3A_268], %get3A_256 masked %lt3A_259 : memref<144xf32, #tpu.memory_space<vmem>>[vector<16xi32>], vector<16xf32>, vector<16xi1>
      %all_reduce_population_count3A_269 = tpu.all_reduce %lt3A_259 {dim = 0 : i64, kind = #tpu.reduction_kind<sum>} : vector<16xi1> -> vector<16xi32>
      %reduce_max3A_270 = arith.constant true
      %reduce_max3A_271 = vector.broadcast %reduce_max3A_270 : i1 to vector<16xi1>
      %reduce_max3A_272 = arith.constant -2147483648 : i32
      %reduce_max3A_273 = vector.broadcast %reduce_max3A_272 : i32 to vector<16xi32>
      %reduce_max3A_274 = arith.xori %all_reduce_population_count3A_269, %reduce_max3A_273 : vector<16xi32>
      %reduce_max3A_275 = tpu.scan <max>, %reduce_max3A_274 masked %reduce_max3A_271 : vector<16xi32>, vector<16xi1> -> vector<16xi32>
      %reduce_max3A_276 = arith.xori %reduce_max3A_275, %reduce_max3A_273 : vector<16xi32>
      %reduce_max3A_277 = vector.extract %reduce_max3A_276[15] : i32 from vector<16xi32>
      %add3A_278 = arith.addi %add3A_248, %reduce_max3A_277 : i32
      %mul3A_279 = arith.constant 2 : i32
      %mul3A_280 = arith.muli %scan3A_15, %mul3A_279 : i32
      %mul3A_281 = arith.constant 128 : i32
      %mul3A_282 = arith.muli %mul3A_280, %mul3A_281 : i32
      %add3A_283 = arith.constant 96 : i32
      %add3A_284 = arith.addi %mul3A_282, %add3A_283 : i32
      %get3A_285 = arith.index_cast %add3A_284 : i32 to index
      %get3A_286 = tpu.vector_load %arg4[%get3A_285] {strides = array<i32>} : memref<1024xf32, #tpu.memory_space<vmem>>, vector<16xf32>,
      %lt3A_287 = arith.constant 2.000000e+00 : f32
      %lt3A_288 = vector.broadcast %lt3A_287 : f32 to vector<16xf32>
      %lt3A_289 = arith.cmpf olt, %get3A_286, %lt3A_288 : vector<16xf32>
      %convert_element_type3A_290 = arith.extui %lt3A_289 : vector<16xi1> to vector<16xi32>
      %broadcast_in_dim3A_291 = arith.constant true
      %broadcast_in_dim3A_292 = vector.broadcast %broadcast_in_dim3A_291 : i1 to vector<16xi1>
      %masked_cumsum3A_293 = tpu.scan <sum>, %convert_element_type3A_290 masked %broadcast_in_dim3A_292 : vector<16xi32>, vector<16xi1> -> vector<16xi32>
      %sub3A_294 = arith.constant 1 : i32
      %sub3A_295 = vector.broadcast %sub3A_294 : i32 to vector<16xi32>
      %sub3A_296 = arith.subi %masked_cumsum3A_293, %sub3A_295 : vector<16xi32>
      %add3A_297 = vector.broadcast %add3A_278 : i32 to vector<16xi32>
      %add3A_298 = arith.addi %sub3A_296, %add3A_297 : vector<16xi32>
      tpu.vector_store_idx %arg6[%add3A_298], %get3A_286 masked %lt3A_289 : memref<144xf32, #tpu.memory_space<vmem>>[vector<16xi32>], vector<16xf32>, vector<16xi1>
      %all_reduce_population_count3A_299 = tpu.all_reduce %lt3A_289 {dim = 0 : i64, kind = #tpu.reduction_kind<sum>} : vector<16xi1> -> vector<16xi32>
      %reduce_max3A_300 = arith.constant true
      %reduce_max3A_301 = vector.broadcast %reduce_max3A_300 : i1 to vector<16xi1>
      %reduce_max3A_302 = arith.constant -2147483648 : i32
      %reduce_max3A_303 = vector.broadcast %reduce_max3A_302 : i32 to vector<16xi32>
      %reduce_max3A_304 = arith.xori %all_reduce_population_count3A_299, %reduce_max3A_303 : vector<16xi32>
      %reduce_max3A_305 = tpu.scan <max>, %reduce_max3A_304 masked %reduce_max3A_301 : vector<16xi32>, vector<16xi1> -> vector<16xi32>
      %reduce_max3A_306 = arith.xori %reduce_max3A_305, %reduce_max3A_303 : vector<16xi32>
      %reduce_max3A_307 = vector.extract %reduce_max3A_306[15] : i32 from vector<16xi32>
      %add3A_308 = arith.addi %add3A_278, %reduce_max3A_307 : i32
      %mul3A_309 = arith.constant 2 : i32
      %mul3A_310 = arith.muli %scan3A_15, %mul3A_309 : i32
      %mul3A_311 = arith.constant 128 : i32
      %mul3A_312 = arith.muli %mul3A_310, %mul3A_311 : i32
      %add3A_313 = arith.constant 112 : i32
      %add3A_314 = arith.addi %mul3A_312, %add3A_313 : i32
      %get3A_315 = arith.index_cast %add3A_314 : i32 to index
      %get3A_316 = tpu.vector_load %arg4[%get3A_315] {strides = array<i32>} : memref<1024xf32, #tpu.memory_space<vmem>>, vector<16xf32>,
      %lt3A_317 = arith.constant 2.000000e+00 : f32
      %lt3A_318 = vector.broadcast %lt3A_317 : f32 to vector<16xf32>
      %lt3A_319 = arith.cmpf olt, %get3A_316, %lt3A_318 : vector<16xf32>
      %convert_element_type3A_320 = arith.extui %lt3A_319 : vector<16xi1> to vector<16xi32>
      %broadcast_in_dim3A_321 = arith.constant true
      %broadcast_in_dim3A_322 = vector.broadcast %broadcast_in_dim3A_321 : i1 to vector<16xi1>
      %masked_cumsum3A_323 = tpu.scan <sum>, %convert_element_type3A_320 masked %broadcast_in_dim3A_322 : vector<16xi32>, vector<16xi1> -> vector<16xi32>
      %sub3A_324 = arith.constant 1 : i32
      %sub3A_325 = vector.broadcast %sub3A_324 : i32 to vector<16xi32>
      %sub3A_326 = arith.subi %masked_cumsum3A_323, %sub3A_325 : vector<16xi32>
      %add3A_327 = vector.broadcast %add3A_308 : i32 to vector<16xi32>
      %add3A_328 = arith.addi %sub3A_326, %add3A_327 : vector<16xi32>
      tpu.vector_store_idx %arg6[%add3A_328], %get3A_316 masked %lt3A_319 : memref<144xf32, #tpu.memory_space<vmem>>[vector<16xi32>], vector<16xf32>, vector<16xi1>
      %all_reduce_population_count3A_329 = tpu.all_reduce %lt3A_319 {dim = 0 : i64, kind = #tpu.reduction_kind<sum>} : vector<16xi1> -> vector<16xi32>
      %reduce_max3A_330 = arith.constant true
      %reduce_max3A_331 = vector.broadcast %reduce_max3A_330 : i1 to vector<16xi1>
      %reduce_max3A_332 = arith.constant -2147483648 : i32
      %reduce_max3A_333 = vector.broadcast %reduce_max3A_332 : i32 to vector<16xi32>
      %reduce_max3A_334 = arith.xori %all_reduce_population_count3A_329, %reduce_max3A_333 : vector<16xi32>
      %reduce_max3A_335 = tpu.scan <max>, %reduce_max3A_334 masked %reduce_max3A_331 : vector<16xi32>, vector<16xi1> -> vector<16xi32>
      %reduce_max3A_336 = arith.xori %reduce_max3A_335, %reduce_max3A_333 : vector<16xi32>
      %reduce_max3A_337 = vector.extract %reduce_max3A_336[15] : i32 from vector<16xi32>
      %add3A_338 = arith.addi %add3A_308, %reduce_max3A_337 : i32
      %while3A = arith.constant 0 : i32
      %while3A_339 = arith.subi %add3A_338, %while3A : i32
      %while3A_340 = arith.addi %while3A, %while3A_339 : i32
      %while3A_341 = arith.constant 1 : i32
      %while3A_342 = arith.divsi %while3A_339, %while3A_341 : i32
      %while3A_343 = arith.muli %while3A_342, %while3A_341 : i32
      %while3A_344 = arith.addi %while3A, %while3A_343 : i32
      %while3A_345 = arith.constant 1 : i32
      %while3A_346:8 = scf.for %while3A_349 = %while3A to %while3A_344 step %while3A_345 iter_args(%while3A_350 = %scan3A_16, %while3A_351 = %scan3A_17, %while3A_352 = %scan3A_18, %while3A_353 = %scan3A_19, %while3A_354 = %scan3A_20, %while3A_355 = %scan3A_21, %while3A_356 = %scan3A_22, %while3A_357 = %scan3A_23) -> (vector<16xf32>, vector<16xf32>, vector<16xf32>, vector<16xf32>, vector<16xf32>, vector<16xf32>, vector<16xf32>, vector<16xf32>)  : i32 {
        %broadcast_in_dim3A_358 = arith.constant 0 : i32
        %broadcast_in_dim3A_359 = vector.broadcast %broadcast_in_dim3A_358 : i32 to vector<16xi32>
        %add3A_360 = vector.broadcast %while3A_349 : i32 to vector<16xi32>
        %add3A_361 = arith.addi %broadcast_in_dim3A_359, %add3A_360 : vector<16xi32>
        %gather3A = tpu.vector_load_idx %arg6[%add3A_361] : memref<144xf32, #tpu.memory_space<vmem>>[vector<16xi32>], vector<16xf32>,
        %sub3A_362 = arith.subf %get3A_32, %gather3A : vector<16xf32>
        %max3A = arith.constant 0.000000e+00 : f32
        %max3A_363 = vector.broadcast %max3A : f32 to vector<16xf32>
        %max3A_364 = arith.maximumf %sub3A_362, %max3A_363 : vector<16xf32>
        %add3A_365 = arith.addf %while3A_350, %max3A_364 : vector<16xf32>
        %sub3A_366 = arith.subf %get3A_42, %gather3A : vector<16xf32>
        %max3A_367 = arith.constant 0.000000e+00 : f32
        %max3A_368 = vector.broadcast %max3A_367 : f32 to vector<16xf32>
        %max3A_369 = arith.maximumf %sub3A_366, %max3A_368 : vector<16xf32>
        %add3A_370 = arith.addf %while3A_351, %max3A_369 : vector<16xf32>
        %sub3A_371 = arith.subf %get3A_52, %gather3A : vector<16xf32>
        %max3A_372 = arith.constant 0.000000e+00 : f32
        %max3A_373 = vector.broadcast %max3A_372 : f32 to vector<16xf32>
        %max3A_374 = arith.maximumf %sub3A_371, %max3A_373 : vector<16xf32>
        %add3A_375 = arith.addf %while3A_352, %max3A_374 : vector<16xf32>
        %sub3A_376 = arith.subf %get3A_62, %gather3A : vector<16xf32>
        %max3A_377 = arith.constant 0.000000e+00 : f32
        %max3A_378 = vector.broadcast %max3A_377 : f32 to vector<16xf32>
        %max3A_379 = arith.maximumf %sub3A_376, %max3A_378 : vector<16xf32>
        %add3A_380 = arith.addf %while3A_353, %max3A_379 : vector<16xf32>
        %sub3A_381 = arith.subf %get3A_72, %gather3A : vector<16xf32>
        %max3A_382 = arith.constant 0.000000e+00 : f32
        %max3A_383 = vector.broadcast %max3A_382 : f32 to vector<16xf32>
        %max3A_384 = arith.maximumf %sub3A_381, %max3A_383 : vector<16xf32>
        %add3A_385 = arith.addf %while3A_354, %max3A_384 : vector<16xf32>
        %sub3A_386 = arith.subf %get3A_82, %gather3A : vector<16xf32>
        %max3A_387 = arith.constant 0.000000e+00 : f32
        %max3A_388 = vector.broadcast %max3A_387 : f32 to vector<16xf32>
        %max3A_389 = arith.maximumf %sub3A_386, %max3A_388 : vector<16xf32>
        %add3A_390 = arith.addf %while3A_355, %max3A_389 : vector<16xf32>
        %sub3A_391 = arith.subf %get3A_92, %gather3A : vector<16xf32>
        %max3A_392 = arith.constant 0.000000e+00 : f32
        %max3A_393 = vector.broadcast %max3A_392 : f32 to vector<16xf32>
        %max3A_394 = arith.maximumf %sub3A_391, %max3A_393 : vector<16xf32>
        %add3A_395 = arith.addf %while3A_356, %max3A_394 : vector<16xf32>
        %sub3A_396 = arith.subf %get3A_102, %gather3A : vector<16xf32>
        %max3A_397 = arith.constant 0.000000e+00 : f32
        %max3A_398 = vector.broadcast %max3A_397 : f32 to vector<16xf32>
        %max3A_399 = arith.maximumf %sub3A_396, %max3A_398 : vector<16xf32>
        %add3A_400 = arith.addf %while3A_357, %max3A_399 : vector<16xf32>
        scf.yield %add3A_365, %add3A_370, %add3A_375, %add3A_380, %add3A_385, %add3A_390, %add3A_395, %add3A_400 : vector<16xf32>, vector<16xf32>, vector<16xf32>, vector<16xf32>, vector<16xf32>, vector<16xf32>, vector<16xf32>, vector<16xf32>
      }
      %while3A_347 = arith.constant 1 : i32
      %while3A_348:8 = scf.for %while3A_349 = %while3A_344 to %while3A_340 step %while3A_347 iter_args(%while3A_350 = %while3A_346#0, %while3A_351 = %while3A_346#1, %while3A_352 = %while3A_346#2, %while3A_353 = %while3A_346#3, %while3A_354 = %while3A_346#4, %while3A_355 = %while3A_346#5, %while3A_356 = %while3A_346#6, %while3A_357 = %while3A_346#7) -> (vector<16xf32>, vector<16xf32>, vector<16xf32>, vector<16xf32>, vector<16xf32>, vector<16xf32>, vector<16xf32>, vector<16xf32>)  : i32 {
        %broadcast_in_dim3A_358 = arith.constant 0 : i32
        %broadcast_in_dim3A_359 = vector.broadcast %broadcast_in_dim3A_358 : i32 to vector<16xi32>
        %add3A_360 = vector.broadcast %while3A_349 : i32 to vector<16xi32>
        %add3A_361 = arith.addi %broadcast_in_dim3A_359, %add3A_360 : vector<16xi32>
        %gather3A = tpu.vector_load_idx %arg6[%add3A_361] : memref<144xf32, #tpu.memory_space<vmem>>[vector<16xi32>], vector<16xf32>,
        %sub3A_362 = arith.subf %get3A_32, %gather3A : vector<16xf32>
        %max3A = arith.constant 0.000000e+00 : f32
        %max3A_363 = vector.broadcast %max3A : f32 to vector<16xf32>
        %max3A_364 = arith.maximumf %sub3A_362, %max3A_363 : vector<16xf32>
        %add3A_365 = arith.addf %while3A_350, %max3A_364 : vector<16xf32>
        %sub3A_366 = arith.subf %get3A_42, %gather3A : vector<16xf32>
        %max3A_367 = arith.constant 0.000000e+00 : f32
        %max3A_368 = vector.broadcast %max3A_367 : f32 to vector<16xf32>
        %max3A_369 = arith.maximumf %sub3A_366, %max3A_368 : vector<16xf32>
        %add3A_370 = arith.addf %while3A_351, %max3A_369 : vector<16xf32>
        %sub3A_371 = arith.subf %get3A_52, %gather3A : vector<16xf32>
        %max3A_372 = arith.constant 0.000000e+00 : f32
        %max3A_373 = vector.broadcast %max3A_372 : f32 to vector<16xf32>
        %max3A_374 = arith.maximumf %sub3A_371, %max3A_373 : vector<16xf32>
        %add3A_375 = arith.addf %while3A_352, %max3A_374 : vector<16xf32>
        %sub3A_376 = arith.subf %get3A_62, %gather3A : vector<16xf32>
        %max3A_377 = arith.constant 0.000000e+00 : f32
        %max3A_378 = vector.broadcast %max3A_377 : f32 to vector<16xf32>
        %max3A_379 = arith.maximumf %sub3A_376, %max3A_378 : vector<16xf32>
        %add3A_380 = arith.addf %while3A_353, %max3A_379 : vector<16xf32>
        %sub3A_381 = arith.subf %get3A_72, %gather3A : vector<16xf32>
        %max3A_382 = arith.constant 0.000000e+00 : f32
        %max3A_383 = vector.broadcast %max3A_382 : f32 to vector<16xf32>
        %max3A_384 = arith.maximumf %sub3A_381, %max3A_383 : vector<16xf32>
        %add3A_385 = arith.addf %while3A_354, %max3A_384 : vector<16xf32>
        %sub3A_386 = arith.subf %get3A_82, %gather3A : vector<16xf32>
        %max3A_387 = arith.constant 0.000000e+00 : f32
        %max3A_388 = vector.broadcast %max3A_387 : f32 to vector<16xf32>
        %max3A_389 = arith.maximumf %sub3A_386, %max3A_388 : vector<16xf32>
        %add3A_390 = arith.addf %while3A_355, %max3A_389 : vector<16xf32>
        %sub3A_391 = arith.subf %get3A_92, %gather3A : vector<16xf32>
        %max3A_392 = arith.constant 0.000000e+00 : f32
        %max3A_393 = vector.broadcast %max3A_392 : f32 to vector<16xf32>
        %max3A_394 = arith.maximumf %sub3A_391, %max3A_393 : vector<16xf32>
        %add3A_395 = arith.addf %while3A_356, %max3A_394 : vector<16xf32>
        %sub3A_396 = arith.subf %get3A_102, %gather3A : vector<16xf32>
        %max3A_397 = arith.constant 0.000000e+00 : f32
        %max3A_398 = vector.broadcast %max3A_397 : f32 to vector<16xf32>
        %max3A_399 = arith.maximumf %sub3A_396, %max3A_398 : vector<16xf32>
        %add3A_400 = arith.addf %while3A_357, %max3A_399 : vector<16xf32>
        scf.yield %add3A_365, %add3A_370, %add3A_375, %add3A_380, %add3A_385, %add3A_390, %add3A_395, %add3A_400 : vector<16xf32>, vector<16xf32>, vector<16xf32>, vector<16xf32>, vector<16xf32>, vector<16xf32>, vector<16xf32>, vector<16xf32>
      }
      scf.yield %while3A_348#0, %while3A_348#1, %while3A_348#2, %while3A_348#3, %while3A_348#4, %while3A_348#5, %while3A_348#6, %while3A_348#7 : vector<16xf32>, vector<16xf32>, vector<16xf32>, vector<16xf32>, vector<16xf32>, vector<16xf32>, vector<16xf32>, vector<16xf32>
    }
    %scan3A_6 = arith.constant 4 : i32
    %add3A_7 = arith.addf %scan3A_5#0, %scan3A_5#1 : vector<16xf32>
    %add3A_8 = arith.addf %add3A_7, %scan3A_5#2 : vector<16xf32>
    %add3A_9 = arith.addf %add3A_8, %scan3A_5#3 : vector<16xf32>
    %add3A_10 = arith.addf %add3A_9, %scan3A_5#4 : vector<16xf32>
    %add3A_11 = arith.addf %add3A_10, %scan3A_5#5 : vector<16xf32>
    %add3A_12 = arith.addf %add3A_11, %scan3A_5#6 : vector<16xf32>
    %add3A_13 = arith.addf %add3A_12, %scan3A_5#7 : vector<16xf32>
    %swap3A = arith.constant 0 : index
    %swap3A_14 = tpu.vector_load %arg5[%swap3A] {strides = array<i32>} : memref<16xf32, #tpu.memory_space<vmem>>, vector<16xf32>,
    tpu.vector_store %arg5[%swap3A], %add3A_13 {strides = array<i32>} : memref<16xf32, #tpu.memory_space<vmem>>, vector<16xf32>,
    "tpu.region"() ({
      %run_scoped3A = tpu.sem_alloc : memref<!tpu.dma_semaphore, #tpu.memory_space<semaphore_mem>>
      %dma_start3A = arith.constant 0 : i32
      %dma_start3A_15 = tpu.memref_slice %arg3[%add3A, %dma_start3A] : memref<32x16xf32, #tpu.memory_space<hbm>> -> memref<1x16xf32, #tpu.memory_space<hbm>>
      %dma_start3A_16 = tpu.memref_squeeze %dma_start3A_15 : memref<1x16xf32, #tpu.memory_space<hbm>> -> memref<16xf32, #tpu.memory_space<hbm>>
      %dma_start3A_17 = arith.constant 0 : i32
      %dma_start3A_18 = tpu.memref_slice %arg3[%add3A, %dma_start3A_17] : memref<32x16xf32, #tpu.memory_space<hbm>> -> memref<1x16xf32, #tpu.memory_space<hbm>>
      %dma_start3A_19 = tpu.memref_squeeze %dma_start3A_18 : memref<1x16xf32, #tpu.memory_space<hbm>> -> memref<16xf32, #tpu.memory_space<hbm>>
      tpu.enqueue_dma source(%arg5 : memref<16xf32, #tpu.memory_space<vmem>>) target(%dma_start3A_19 : memref<16xf32, #tpu.memory_space<hbm>>) target_semaphore(%run_scoped3A : memref<!tpu.dma_semaphore, #tpu.memory_space<semaphore_mem>>)
      %dma_wait3A = arith.constant 0 : i32
      %dma_wait3A_20 = tpu.memref_slice %arg3[%add3A, %dma_wait3A] : memref<32x16xf32, #tpu.memory_space<hbm>> -> memref<1x16xf32, #tpu.memory_space<hbm>>
      %dma_wait3A_21 = tpu.memref_squeeze %dma_wait3A_20 : memref<1x16xf32, #tpu.memory_space<hbm>> -> memref<16xf32, #tpu.memory_space<hbm>>
      %dma_wait3A_22 = arith.constant 0 : i32
      %dma_wait3A_23 = tpu.memref_slice %arg3[%add3A, %dma_wait3A_22] : memref<32x16xf32, #tpu.memory_space<hbm>> -> memref<1x16xf32, #tpu.memory_space<hbm>>
      %dma_wait3A_24 = tpu.memref_squeeze %dma_wait3A_23 : memref<1x16xf32, #tpu.memory_space<hbm>> -> memref<16xf32, #tpu.memory_space<hbm>>
      tpu.wait_dma2 semaphore(%run_scoped3A : memref<!tpu.dma_semaphore, #tpu.memory_space<semaphore_mem>>) src(%arg5 : memref<16xf32, #tpu.memory_space<vmem>>) dst(%dma_wait3A_24 : memref<16xf32, #tpu.memory_space<hbm>>)
      tpu.yield
    }) : () -> ()
    return
  }
}

module attributes {stable_mosaic.version = 14 : i64} {
  func.func @_tc_body(%arg0: memref<128x1024xf32, #tpu.memory_space<vmem>>, %arg1: memref<128x1xi32, #tpu.memory_space<vmem>>, %arg2: memref<1x128xi32, #tpu.memory_space<vmem>>, %arg3: memref<128x256xf32, #tpu.memory_space<vmem>>) attributes {dimension_semantics = [], scalar_prefetch = 0 : i64, scratch_operands = 0 : i64, tpu.core_type = #tpu.core_type<tc>} {
    %get3A = arith.constant 0 : index
    %get3A_0 = arith.constant 0 : index
    %get3A_1 = vector.load %arg0[%get3A, %get3A_0] : memref<128x1024xf32, #tpu.memory_space<vmem>>, vector<128x1024xf32>
    %dot_general3A = arith.constant dense<0.000000e+00> : vector<128x128xf32>
    %dot_general3A_2 = tpu.matmul %get3A_1, %get3A_1, %dot_general3A {dimension_numbers = #tpu.dot_dimension_numbers<[1], [1], [0], [0], [0, 0, 1, 0], [], []>, transpose_lhs_hint = false} : vector<128x1024xf32>, vector<128x1024xf32>, vector<128x128xf32> -> vector<128x128xf32>
    %mul3A = arith.mulf %get3A_1, %get3A_1 : vector<128x1024xf32>
    %reduce_sum3A = arith.constant dense<0.000000e+00> : vector<128xf32>
    %reduce_sum3A_3 = vector.multi_reduction <add>, %mul3A, %reduce_sum3A [1] : vector<128x1024xf32> to vector<128xf32>
    %broadcast_in_dim3A = vector.shape_cast %reduce_sum3A_3 : vector<128xf32> to vector<128x1xf32>
    %iota3A = tpu.iota {dimensions = array<i32: 0>} : vector<128x128xi32>
    %iota3A_4 = tpu.iota {dimensions = array<i32: 1>} : vector<128x128xi32>
    %eq3A = arith.cmpi eq, %iota3A, %iota3A_4 : vector<128x128xi32>
    %broadcast_in_dim3A_5 = vector.shape_cast %broadcast_in_dim3A : vector<128x1xf32> to vector<128x1xf32>
    %broadcast_in_dim3A_6 = vector.broadcast %broadcast_in_dim3A_5 : vector<128x1xf32> to vector<128x128xf32>
    %jit3A = arith.constant 0.000000e+00 : f32
    %broadcast_in_dim3A_7 = vector.broadcast %jit3A : f32 to vector<128x128xf32>
    %select_n3A = arith.select %eq3A, %broadcast_in_dim3A_6, %broadcast_in_dim3A_7 : vector<128x128xi1>, vector<128x128xf32>
    %broadcast_in_dim3A_8 = arith.constant 1.000000e+00 : f32
    %broadcast_in_dim3A_9 = vector.broadcast %broadcast_in_dim3A_8 : f32 to vector<128x128xf32>
    %dot_general3A_10 = arith.constant dense<0.000000e+00> : vector<128x128xf32>
    %dot_general3A_11 = tpu.matmul %broadcast_in_dim3A_9, %select_n3A, %dot_general3A_10 {dimension_numbers = #tpu.dot_dimension_numbers<[1], [0], [0], [1], [0, 0, 1, 1], [], []>, transpose_lhs_hint = false} : vector<128x128xf32>, vector<128x128xf32>, vector<128x128xf32> -> vector<128x128xf32>
    %broadcast_in_dim3A_12 = vector.shape_cast %broadcast_in_dim3A : vector<128x1xf32> to vector<128x1xf32>
    %broadcast_in_dim3A_13 = vector.broadcast %broadcast_in_dim3A_12 : vector<128x1xf32> to vector<128x128xf32>
    %mul3A_14 = arith.mulf %broadcast_in_dim3A_13, %dot_general3A_11 : vector<128x128xf32>
    %sqrt3A = math.sqrt %mul3A_14 : vector<128x128xf32>
    %max3A = arith.constant 9.99999993E-9 : f32
    %max3A_15 = vector.broadcast %max3A : f32 to vector<128x128xf32>
    %max3A_16 = arith.maximumf %sqrt3A, %max3A_15 : vector<128x128xf32>
    %div3A = arith.divf %dot_general3A_2, %max3A_16 : vector<128x128xf32>
    %get3A_17 = arith.constant 0 : index
    %get3A_18 = arith.constant 0 : index
    %get3A_19 = vector.load %arg1[%get3A_17, %get3A_18] : memref<128x1xi32, #tpu.memory_space<vmem>>, vector<128x1xi32>
    %broadcast_in_dim3A_20 = vector.shape_cast %get3A_19 : vector<128x1xi32> to vector<128x1xi32>
    %broadcast_in_dim3A_21 = vector.broadcast %broadcast_in_dim3A_20 : vector<128x1xi32> to vector<128x128xi32>
    %get3A_22 = arith.constant 0 : index
    %get3A_23 = arith.constant 0 : index
    %get3A_24 = vector.load %arg2[%get3A_22, %get3A_23] : memref<1x128xi32, #tpu.memory_space<vmem>>, vector<1x128xi32>
    %broadcast_in_dim3A_25 = vector.shape_cast %get3A_24 : vector<1x128xi32> to vector<1x128xi32>
    %broadcast_in_dim3A_26 = vector.broadcast %broadcast_in_dim3A_25 : vector<1x128xi32> to vector<128x128xi32>
    %eq3A_27 = arith.cmpi eq, %broadcast_in_dim3A_21, %broadcast_in_dim3A_26 : vector<128x128xi32>
    %gt3A = arith.cmpi sgt, %iota3A_4, %iota3A : vector<128x128xi32>
    %and3A = arith.andi %gt3A, %eq3A_27 : vector<128x128xi1>
    %jit3A_28 = arith.constant 3.000000e+00 : f32
    %broadcast_in_dim3A_29 = vector.broadcast %jit3A_28 : f32 to vector<128x128xf32>
    %select_n3A_30 = arith.select %and3A, %div3A, %broadcast_in_dim3A_29 : vector<128x128xi1>, vector<128x128xf32>
    %not3A = arith.constant dense<true> : vector<128x128xi1>
    %not3A_31 = arith.xori %eq3A_27, %not3A : vector<128x128xi1>
    %and3A_32 = arith.andi %gt3A, %not3A_31 : vector<128x128xi1>
    %add3A = arith.constant 1.000000e+00 : f32
    %add3A_33 = vector.broadcast %add3A : f32 to vector<128x128xf32>
    %add3A_34 = arith.addf %div3A, %add3A_33 : vector<128x128xf32>
    %jit3A_35 = arith.constant -3.000000e+00 : f32
    %broadcast_in_dim3A_36 = vector.broadcast %jit3A_35 : f32 to vector<128x128xf32>
    %select_n3A_37 = arith.select %and3A_32, %add3A_34, %broadcast_in_dim3A_36 : vector<128x128xi1>, vector<128x128xf32>
    %concatenate3A = tpu.concatenate %select_n3A_30, %select_n3A_37 in 1 : vector<128x128xf32>, vector<128x128xf32> -> vector<128x256xf32>
    %swap3A = arith.constant 0 : index
    %swap3A_38 = arith.constant 0 : index
    %swap3A_39 = vector.load %arg3[%swap3A, %swap3A_38] : memref<128x256xf32, #tpu.memory_space<vmem>>, vector<128x256xf32>
    tpu.vector_store %arg3[%swap3A, %swap3A_38], %concatenate3A {strides = array<i32>} : memref<128x256xf32, #tpu.memory_space<vmem>>, vector<128x256xf32>,
    return
  }
}

</mosaic_0001>

<sc_bundles>
// kernel: kernel.4.cloned.1.call-start
scs
__scs_entry_jumppad:
0x0: {  	(pc) =	sbr.rel $0x88, $3  }
0x1: {  	(tag) =	ssettag $0x0;
	lr =	simm.s32 $0x1  }
0x2: {  	[smem:$0x3F9F] =	sst lr;
	_ =	strace $0xD0000000  }
0x3: {  	_ = 	snop  }
0x4: {  	_ = 	snop  }
0x5: {  	_ = 	snop  }
0x6: {  	_ = 	snop  }
0x7: {  	_ = 	snop  }
__scs_overlays_trampoline_lowered:
0x8: {  	[smem:$0x3FAE] =	sst s0  }
0x9: {  	[smem:$0x3FAF] =	sst s1  }
0xa: {  	[smem:$0x3FB0] =	sst s2  }
0xb: {  	[smem:$0x3FB1] =	sst s3  }
0xc: {  	[smem:$0x3FB2] =	sst s4  }
0xd: {  	[smem:$0x3FB3] =	sst s5  }
0xe: {  	[smem:$0x3FB4] =	sst s6  }
0xf: {  	[smem:$0x3FB5] =	sst s7  }
0x10: {  	[smem:$0x3FB6] =	sst s8  }
0x11: {  	[smem:$0x3FB7] =	sst s9;
	s0 =	simm.s32 @!p0 $0x0  }
0x12: {  	s1 =	sld [smem:$0x3F9D];
	s0 =	simm.s32 @p0 $0x1  }
0x13: {  	[smem:$0x3FB8] =	sst s0;
	s0 =	simm.s32 @!p1 $0x0  }
0x14: {  	s2 =	sld [smem:$0x3F9C];
	s0 =	simm.s32 @p1 $0x1  }
0x15: {  	[smem:$0x3FB9] =	sst s0;
	s0 =	simm.s32 @!p2 $0x0  }
0x16: {  	s3 =	sld [smem:$0x3FDB];
	s0 =	simm.s32 @p2 $0x1  }
0x17: {  	s4 =	simm.s32 $0x1BF5;
	[smem:$0x3FBB] =	sst s0  }
0x18: {  	s0 =	sld [smem:$0x3F9E];
	_ =	swait.ge [sflag:s4], $0x0  }
0x19: {  	s7 =	sld [smem:$0x3F9F]  }
0x1a: {  	s8 =	sadd.s32 $0xFFFFE003, lr  }
0x1b: {  	s9 =	sadd.s32 $0xFFFFFEF7, lr;
	s5 =	simm.s32 $0xFFFFFFFF;
	p2 =	slt.u32 s8, $0xFFFFF086  }
0x1c: {  	p1 =	slt.u32 s9, $0xF7A;
	s5 =	simm.s32 @!p2 $0x0  }
0x1d: {  	s5 =	simm.s32 @p1 $0x1;
	p0 =	seq.s32 s7, s2  }
0x1e: {  	s7 =	smul.u32 @!p0 $0xF7A, s2;
	p2 =	seq.s32 @!p0 s5, $0x0  }
0x1f: {  	s9 =	smul.u32 $0xF7A, s1;
	s8 =	simm.s32 @!p0 $0x1BF5;
	p2 =	por !p2, p0  }
0x20: {  	[sflag:s8] =	ssyncset.s32 @!p0 $0xFFFFF086;
	s6 =	sadd.s32 @!p0 s3, s7;
	s7 =	simm.s32 @!p0 $0x108  }
0x21: {  	s3 =	sadd.s32 s3, s9;
	s6 =	sadd.s32 @!p0 $0x88, s6;
	s7 =	simm.s32 @p2 $0x1082  }
0x22: {  	[simem:s7], [sflag:s8] =	dma.local @!p0 [hbm:s6], $0xF7A  }
0x23: {  	s9 =	sor.u32 $0xD0000000, s2;
	s6 =	simm.s32 $0x108;
	_ =	swait.ge @!p0 [sflag:s8], $0x0  }
0x24: {  	s3 =	sadd.s32 $0x88, s3;
	s6 =	simm.s32 @!p1 $0x1082;
	[sflag:s4] =	ssyncset.s32 $0xFFFFF086  }
0x25: {  	[simem:s6], [sflag:s4] =	dma.local [hbm:s3], $0xF7A  }
0x26: {  	[smem:$0x3F9F] =	sst s1;
	(tag) =	ssettag s2;
	_ =	strace s9  }
0x27: {  	s1 =	sld [smem:$0x3FAF]  }
0x28: {  	s2 =	sld [smem:$0x3FB0]  }
0x29: {  	s4 =	sld [smem:$0x3FB2]  }
0x2a: {  	p0 =	seq.s32 s5, $0x0;
	s5 =	sld [smem:$0x3FB3]  }
0x2b: {  	s6 =	sld [smem:$0x3FB4]  }
0x2c: {  	s7 =	sld [smem:$0x3FB5]  }
0x2d: {  	s3 =	simm.s32 $0x108;
	s8 =	sld [smem:$0x3FB6]  }
0x2e: {  	s3 =	simm.s32 @!p0 $0x1082;
	s9 =	sld [smem:$0x3FB7]  }
0x2f: {  	lr =	sadd.s32 s0, s3;
	s0 =	sld [smem:$0x3FAE]  }
0x30: {  	s3 =	sld [smem:$0x3FB1]  }
0x31: {  	[smem:$0x3FBA] =	sst s10  }
0x32: {  	s10 =	sld [smem:$0x3FB8];
	_ =	sdelay $0x3  }
0x33: {  	p0 =	seq.s32 s10, $0x1;
	s10 =	sld [smem:$0x3FBA];
	_ =	sdelay $0x3  }
0x34: {  	[smem:$0x3FBA] =	sst s10  }
0x35: {  	s10 =	sld [smem:$0x3FB9];
	_ =	sdelay $0x3  }
0x36: {  	p1 =	seq.s32 s10, $0x1;
	s10 =	sld [smem:$0x3FBA];
	_ =	sdelay $0x3  }
0x37: {  	[smem:$0x3FBA] =	sst s10  }
0x38: {  	s10 =	sld [smem:$0x3FBB]  }
0x39: {  	_ = 	snop;
	(pc) =	sbr.ind lr, $3  }
0x3a: {  	_ = 	snop  }
0x3b: {  	_ = 	snop  }
0x3c: {  	p2 =	seq.s32 s10, $0x1;
	s10 =	sld [smem:$0x3FBA]  }
0x3d: {  	_ =	shalt  }
0x3e: {  	_ =	shalt  }
0x3f: {  	_ =	shalt  }
0x40: {  	_ =	shalt  }
0x41: {  	_ =	shalt  }
0x42: {  	_ =	shalt  }
0x43: {  	_ =	shalt  }
0x44: {  	_ =	shalt  }
0x45: {  	_ =	shalt  }
0x46: {  	_ =	shalt  }
0x47: {  	_ =	shalt  }
0x48: {  	_ =	shalt  }
0x49: {  	_ =	shalt  }
0x4a: {  	_ =	shalt  }
0x4b: {  	_ =	shalt  }
0x4c: {  	_ =	shalt  }
0x4d: {  	_ =	shalt  }
0x4e: {  	_ =	shalt  }
0x4f: {  	_ =	shalt  }
0x50: {  	_ =	shalt  }
0x51: {  	_ =	shalt  }
0x52: {  	_ =	shalt  }
0x53: {  	_ =	shalt  }
0x54: {  	_ =	shalt  }
0x55: {  	_ =	shalt  }
0x56: {  	_ =	shalt  }
0x57: {  	_ =	shalt  }
0x58: {  	_ =	shalt  }
0x59: {  	_ =	shalt  }
0x5a: {  	_ =	shalt  }
0x5b: {  	_ =	shalt  }
0x5c: {  	_ =	shalt  }
0x5d: {  	_ =	shalt  }
0x5e: {  	_ =	shalt  }
0x5f: {  	_ =	shalt  }
0x60: {  	_ =	shalt  }
0x61: {  	_ =	shalt  }
0x62: {  	_ =	shalt  }
0x63: {  	_ =	shalt  }
0x64: {  	_ =	shalt  }
0x65: {  	_ =	shalt  }
0x66: {  	_ =	shalt  }
0x67: {  	_ =	shalt  }
0x68: {  	_ =	shalt  }
0x69: {  	_ =	shalt  }
0x6a: {  	_ =	shalt  }
0x6b: {  	_ =	shalt  }
0x6c: {  	_ =	shalt  }
0x6d: {  	_ =	shalt  }
0x6e: {  	_ =	shalt  }
0x6f: {  	_ =	shalt  }
0x70: {  	_ =	shalt  }
0x71: {  	_ =	shalt  }
0x72: {  	_ =	shalt  }
0x73: {  	_ =	shalt  }
0x74: {  	_ =	shalt  }
0x75: {  	_ =	shalt  }
0x76: {  	_ =	shalt  }
0x77: {  	_ =	shalt  }
0x78: {  	_ =	shalt  }
0x79: {  	_ =	shalt  }
0x7a: {  	_ =	shalt  }
0x7b: {  	_ =	shalt  }
0x7c: {  	_ =	shalt  }
0x7d: {  	_ =	shalt  }
0x7e: {  	_ =	shalt  }
0x7f: {  	_ =	shalt  }
0x80: {  	_ =	shalt  }
0x81: {  	_ =	shalt  }
0x82: {  	_ =	shalt  }
0x83: {  	_ =	shalt  }
0x84: {  	_ =	shalt  }
0x85: {  	_ =	shalt  }
0x86: {  	_ =	shalt  }
0x87: {  	_ =	shalt  }
.Lfunc_end0:
.L_simem_size_0:
called_computation_lowered:
.L_overlay_start_0:
0x88: {  	s2 =	sld [smem:$0x3FD9]  }
0x89: {  	s3 =	sld [smem:$0x3FFE];
	_ =	sdelay $0x1  }
0x8a: {  	s1 =	srdreg.scid  }
0x8b: {  	s0 =	sand.u32 $0x1, s1  }
0x8c: {  	s16 =	sshll.u32 s0, $0xA;
	s2 =	sadd.s32 s3, s2  }
0x8d: {  	s2 =	sadd.s32 s2, s16  }
0x8e: {  	[smem:$0x3FC6] =	sst s2  }
0x8f: {  	_ = 	snop  }
0x90: {  	(tm) =	ssettm $0x1  }
0x91: {  	s17 =	sld [smem:$0x3FFB];
	_ =	sdelay $0x3  }
0x92: {  	_ =	strace s17  }
0x93: {  	s2 =	sld [smem:$0x3FFC];
	_ =	sdelay $0x3  }
0x94: {  	_ =	strace s2  }
0x95: {  	s2 =	sld [smem:$0x3FFD];
	_ =	sdelay $0x3  }
0x96: {  	_ =	strace s2  }
0x97: {  	_ =	strace $0x8FFFFFFF  }
0x98: {  	s18 =	sld [smem:$0x3FDB];
	_ =	sdelay $0x1  }
0x99: {  	s19 =	simm.s32 $_scs_section_size  }
0x9a: {  	s4 =	simm.s32 $_size__tile_overlayer_lowered;
	s5 =	simm.s32 $_tile_overlayer_lowered  }
0x9b: {  	s22 =	simm.s32 $0x1BFF;
	s21 =	sshll.u32 s5, $0x1;
	s2 =	sadd.s32 s19, s18  }
0x9c: {  	s6 =	simm.s32 $0x0;
	s20 =	sshll.u32 s4, $0x1;
	s4 =	sadd.s32 s21, s2  }
0x9d: {  	[timem:s6], [sflag:s22] =	dma.local [hbm:s4], s20  }
0x9e: {  	_ =	swait.ge [sflag:s22], s20  }
0x9f: {  	s3 =	ssub.s32 $0x0, s20;
	[sflag:s22] =	ssyncset.done $0x0  }
0xa0: {  	[sflag:s22] =	ssyncadd.s32 s3;
	_ =	sdelay $0x1  }
0xa1: {  	s23 =	simm.s32 $0x1B8B  }
0xa2: {  	_ =	swait.ge [sflag:s23], $0x1  }
0xa3: {  	[sflag:s23] =	ssyncset.done $0x0  }
0xa4: {  	s25 =	simm.s32 $0x1B8E;
	s24 =	sld [smem:$0x3FFE];
	[sflag:s23] =	ssyncadd.s32 $0xFFFFFFFF  }
0xa5: {  	s26 =	simm.s32 $execute0_lowered;
	[smem:$0x3FD2] =	sst s25  }
0xa6: {  	s4 =	sshll.u32 s26, $0x1;
	_ =	strace $0x80000046;
	[dreg:$0x1] =	wrdreg $0xFFFFFFFF  }
0xa7: {  	s28 =	simm.s32 $_size_execute0_lowered;
	s2 =	sadd.s32 s2, s4;
	[dreg:$0x0] =	wrdreg $0x0  }
0xa8: {  	s4 =	sshll.u32 s28, $0x1;
	[dreg:$0x2] =	wrdreg s2  }
0xa9: {  	[dreg:$0x3] =	wrdreg s4  }
0xaa: {  	[dreg:$0x4] =	wrdreg $0xC0  }
0xab: {  	_ =	task [dreg:s6], $0x5FFFF  }
0xac: {  	[dreg:$0x1] =	wrdreg $0xFFFFFFFF  }
0xad: {  	[dreg:$0x0] =	wrdreg $0x60  }
0xae: {  	[dreg:$0x2] =	wrdreg s24  }
0xaf: {  	[dreg:$0x3] =	wrdreg $0x9  }
0xb0: {  	_ =	task.clear_ibuf [dreg:s6], $0x4FFFF;
	_ =	strace $0x90000046  }
0xb1: {  	s29 =	simm.s32 $0x9;
	_ =	strace $0x80000048  }
0xb2: {  	_ =	swait.ge [sflag:s29], $0x1  }
0xb3: {  	[sflag:s29] =	ssyncadd.s32 $0xFFFFFFFF  }
0xb4: {  	_ =	strace $0x90000048  }
0xb5: {  	_ =	sfence  }
0xb6: {  	s30 =	sld [smem:$0x0];
	_ =	sdelay $0x2  }
0xb7: {  	s31 =	sshll.u32 s1, $0xD;
	s1 =	sshrl.u32 s1, $0x2  }
0xb8: {  	s3 =	sand.u32 $0x4000, s31;
	s1 =	sadd.s32 s1, s30  }
0xb9: {  	s0 =	sor.u32 s3, s0;
	s1 =	sshll.u32 s1, $0x11  }
0xba: {  	s0 =	sor.u32 s1, s0  }
0xbb: {  	s0 =	sadd.s32 $0x8F2B, s0  }
0xbc: {  	[sflag:s0] =	ssyncadd.remote.s32 $0x1  }
0xbd: {  	_ =	sfence.sel $0xFFFF  }
0xbe: {  	[dreg:$0x0] =	wrdreg $0xFFFFFFFF;
	(pc) =	sbr.abs _section_cstart, $3  }
0xbf: {  	[dreg:$0x1] =	wrdreg $0xFFFFFFFF  }
0xc0: {  	_ =	task.clear_ibuf [dreg:s6], $0x2FFFF;
	_ =	strace $0x9FFFFFFF  }
0xc1: {  	(tm) =	ssettm $0x7FFFFFFF  }
tec
execute0_lowered:
.L_overlay_start_1:
0x0: {  	(tag) =	ssettag $0x1  }
0x1: {  	s3 =	rddreg [dreg:$0x0]  }
0x2: {  	s0 =	rddreg [dreg:$0x1];
	s2 =	simm.s32 $0x0  }
0x3: {  	s4 =	srdreg.scid;
	s1 =	stileid.u32;
	s8 =	simm.s32 $0x1  }
0x4: {  	s9 =	simm.s32 $0x480;
	s10 =	simm.s32 $0x0;
	[smem:$0x7FF] =	sst s2  }
0x5: {  	s4 =	sand.u32 $0x1, s4;
	s5 =	sshll.u32 s1, $0x8;
	s6 =	sshrl.u32 s1, $0x2  }
0x6: {  	s7 =	sshll.u32 s4, $0x7;
	s5 =	sand.u32 $0x300, s5;
	s28 =	sshll.u32 s6, $0xD  }
0x7: {  	s6 =	sshll.u32 s6, $0xA;
	_ =	strace $0x80000047;
	s5 =	sor.u32 s7, s5  }
.Ltmp0:
0x8: {  	s4 =	ssub.s32 $0x2, s4;
	s7 =	sor.u32 s28, s5;
	(pc) =	sbr.rel .LBB2_1-.Ltmp0, $4  }
0x9: {  	s30 =	sshrl.u32 s4, $0x1;
	s5 =	sor.u32 s6, s5;
	s29 =	sshrl.u32 s7, $0x3  }
0xa: {  	s31 =	ssub.s32 s4, s30;
	s5 =	sshrl.u32 s5, $0x3;
	s6 =	sadd.s32 s29, s3  }
0xb: {  	s7 =	simm.s32 $0x400;
	s5 =	sadd.s32 s5, s3;
	s3 =	sadd.s32 $0x400, s6  }
0xc: {  	v0 =	vimm.s32 $0x0;
	s4 =	sadd.s32 $0x1400, s5;
	s5 =	smax.u32 s31, $0x1;
	s6 =	simm.s32 $0x80  }
.LBB2_10:
0xd: {  	v4 =	vadd.f32 v6, v4;
	_ =	sdelay $0x1  }
0xe: {  	v4 =	vadd.f32 v7, v4;
	_ =	sdelay $0x1  }
0xf: {  	v4 =	vadd.f32 v8, v4;
	_ =	sdelay $0x1  }
0x10: {  	v3 =	vadd.f32 v3, v4;
	_ =	sdelay $0x1  }
0x11: {  	v3 =	vadd.f32 v5, v3;
	_ =	sdelay $0x1  }
0x12: {  	v2 =	vadd.f32 v2, v3;
	_ =	sdelay $0x1  }
0x13: {  	s10 =	sadd.s32 $0x1, s10;
	v1 =	vadd.f32 v1, v2  }
0x14: {  	p0 =	sne.s32 s10, s5  }
.Ltmp1:
0x15: {  	[tilespmem:$0x400] =	vst v1;
	(pc) =	sbr.rel @!p0 .LBB2_11-.Ltmp1, $4  }
0x16: {  	[hbm4b:s4+s2] =	stream.linear.scatter [tilespmem:s7], [sflag:$0x1], $0x80, $0x38;
	[tilespmem:$0x580] =	vst v63  }
0x17: {  	_ =	swait.ge [sflag:s8], $0x80  }
0x18: {  	[sflag:s8] =	ssyncset.done $0x0  }
0x19: {  	[sflag:s8] =	ssyncadd.s32 $0xFFFFFF80  }
.LBB2_1:
.Ltmp2:
0x1a: {  	(pc) =	sbr.rel .LBB2_2-.Ltmp2, $4  }
0x1b: {  	[tilespmem:s2], [sflag:$0x1] =	stream.strided.gather [hbm4b:s3+s6], $0x400, s7, s6, $0x38;
	[tilespmem:$0x580] =	vst v63  }
0x1c: {  	v1 =	vimm.f32 $0.0e+00;
	v2 =	vimm.f32 $0.0e+00;
	_ =	swait.ge [sflag:s8], $0x400  }
0x1d: {  	v5 =	vimm.f32 $0.0e+00;
	v3 =	vimm.f32 $0.0e+00;
	v8 =	vimm.f32 $0.0e+00;
	[sflag:s8] =	ssyncset.done $0x0  }
0x1e: {  	v7 =	vimm.f32 $0.0e+00;
	v6 =	vimm.f32 $0.0e+00;
	v4 =	vimm.f32 $0.0e+00;
	s11 =	simm.s32 $0x0;
	[sflag:s8] =	ssyncadd.s32 $0xFFFFFC00  }
.LBB2_4:
0x1f: {  	v18 =	vmov v4;
	v20 =	vmov v6;
	v21 =	vmov v3  }
0x20: {  	v19 =	vmovc v2;
	v23 =	vmovc v8;
	v22 =	vmov v5;
	v24 =	vmov v1;
	v25 =	vmov v7  }
.LBB2_8:
0x21: {  	_ =	sdelay $0x1  }
0x22: {  	v18 =	vadd.f32 @p0 v30, v18  }
0x23: {  	v29 =	vmax.f32 @p0 v29, $0.0e+00;
	v30 =	vsub.f32 @p0 v12, v17;
	v31 =	vsub.f32 @p0 v9, v17  }
0x24: {  	v26 =	vld.idx.msk [tilespmem:v26+s9+$0x0], $0xffff;
	v28 =	vmax.f32 @p0 v28, $0.0e+00;
	v20 =	vadd.f32 @p0 v29, v20;
	v29 =	vsub.f32 @p0 v10, v17  }
0x25: {  	v27 =	vmax.f32 @p0 v27, $0.0e+00;
	v21 =	vadd.f32 @p0 v28, v21;
	v17 =	vsub.f32 @p0 v11, v17  }
0x26: {  	v22 =	vadd.f32 @p0 v27, v22;
	v28 =	vmax.f32 @p0 v30, $0.0e+00;
	v4 =	vpsel p0, v18, v4  }
0x27: {  	v29 =	vmax.f32 @p0 v29, $0.0e+00;
	v19 =	vadd.f32 @p0 v28, v19;
	v17 =	vmax.f32 @p0 v17, $0.0e+00  }
0x28: {  	v28 =	vmax.f32 @p0 v31, $0.0e+00;
	v23 =	vadd.f32 @p0 v29, v23;
	v17 =	vadd.f32 @p0 v17, v24  }
0x29: {  	v6 =	vpsel p0, v20, v6;
	v24 =	vadd.f32 @p0 v28, v25;
	v16 =	vsub.f32 v16, v26  }
0x2a: {  	v3 =	vpsel p0, v21, v3;
	v13 =	vsub.f32 v13, v26;
	v14 =	vsub.f32 v14, v26  }
0x2b: {  	v5 =	vpsel p0, v22, v5;
	v15 =	vsub.f32 v15, v26;
	v61 =	vsub.f32 v12, v26  }
0x2c: {  	v2 =	vpsel p0, v19, v2;
	v10 =	vsub.f32 v10, v26;
	v9 =	vsub.f32 v9, v26  }
0x2d: {  	v11 =	vsub.f32 v11, v26;
	v8 =	vpsel p0, v23, v8;
	v1 =	vpsel p0, v17, v1  }
0x2e: {  	v7 =	vpsel p0, v24, v7;
	v16 =	vmax.f32 v16, $0.0e+00;
	v13 =	vmax.f32 v13, $0.0e+00  }
0x2f: {  	v62 =	vmax.f32 v14, $0.0e+00;
	v63 =	vmax.f32 v15, $0.0e+00;
	v12 =	vmax.f32 v61, $0.0e+00  }
0x30: {  	v10 =	vmax.f32 v10, $0.0e+00;
	v4 =	vadd.f32 v16, v4;
	v6 =	vadd.f32 v13, v6  }
0x31: {  	v9 =	vmax.f32 v9, $0.0e+00;
	v3 =	vadd.f32 v62, v3;
	v2 =	vadd.f32 v12, v2  }
0x32: {  	v8 =	vadd.f32 v10, v8;
	v5 =	vadd.f32 v63, v5;
	v10 =	vmax.f32 v11, $0.0e+00  }
0x33: {  	v7 =	vadd.f32 v9, v7;
	v1 =	vadd.f32 v10, v1  }
.LBB2_9:
0x34: {  	s11 =	sadd.s32 $0x1, s11  }
0x35: {  	p0 =	sne.s32 s11, $0x4  }
.Ltmp3:
0x36: {  	_ = 	snop;
	(pc) =	sbr.rel @!p0 .LBB2_10-.Ltmp3, $1  }
0x37: {  	_ =	sdelay $0x3  }
.LBB2_2:
0x38: {  	s12 =	sshll.u32 s11, $0x8  }
0x39: {  	s12 =	sand.u32 $0x3FFFFF00, s12  }
0x3a: {  	v17 =	vld [tilespmem:s12+$0x0];
	_ =	sdelay $0x4  }
0x3b: {  	vm0 =	vlt.f32 v17, $2.000000000e+00  }
0x3c: {  	v9 =	vsel vm0, $0x1, v0  }
0x3d: {  	(xrf0) =	vadd.scan.msk.s32 $0xffff, v9;
	v9 =	vmpcnt.ones.xlane vm0;
	_ =	sdelay $0x1  }
0x3e: {  	v9 =	vxor.u32 $0x80000000, v9  }
0x3f: {  	(xrf0) =	vmax.scan.msk.u32 $0xffff, v9;
	_ =	sdelay $0x1  }
0x40: {  	v16 =	vld [tilespmem:s12+$0x80]  }
0x41: {  	v13 =	vld [tilespmem:s12+$0x90];
	v11, _, _ =	vpop (xrf0)  }
0x42: {  	v10 =	vld [tilespmem:s12+$0xB0];
	v18 =	vadd.s32 $0xFFFFFFFF, v11  }
0x43: {  	v14 =	vld [tilespmem:s12+$0xC0]  }
0x44: {  	v15 =	vld [tilespmem:s12+$0xD0];
	v11, _, _ =	vpop (xrf0)  }
0x45: {  	v12 =	vld [tilespmem:s12+$0xE0];
	(v2sf) =	vpush v11, $0xF  }
0x46: {  	v9 =	vld [tilespmem:s12+$0xA0]  }
0x47: {  	v11 =	vld [tilespmem:s12+$0xF0];
	[tilespmem:v18+s9+$0x0] =	vst.idx.msk vm0, v17  }
0x48: {  	v17 =	vld [tilespmem:s12+$0x10];
	_ =	sdelay $0x4  }
0x49: {  	vm9 =	vlt.f32 v17, $2.000000000e+00  }
0x4a: {  	v18 =	vmpcnt.ones.xlane vm9  }
0x4b: {  	v19 =	vsel vm9, $0x1, v0  }
0x4c: {  	(xrf0) =	vadd.scan.msk.s32 $0xffff, v19;
	v18 =	vxor.u32 $0x80000000, v18  }
0x4d: {  	(xrf0) =	vmax.scan.msk.u32 $0xffff, v18;
	_ =	sdelay $0x2  }
0x4e: {  	s13 =	spop (v2sf)  }
0x4f: {  	s13 =	sxor.u32 $0x80000000, s13  }
0x50: {  	v18, _, _ =	vpop (xrf0);
	v19 =	vmov s13  }
0x51: {  	v19 =	vadd.s32 $0xFFFFFFFF, v19;
	v20, _, _ =	vpop (xrf0)  }
0x52: {  	v19 =	vbroadcast v19, $0x0;
	(v2sf) =	vpush v20, $0xF;
	_ =	sdelay $0x1  }
0x53: {  	v18 =	vadd.s32 v18, v19;
	_ =	sdelay $0x4  }
0x54: {  	[tilespmem:v18+s9+$0x0] =	vst.idx.msk vm9, v17  }
0x55: {  	v17 =	vld [tilespmem:s12+$0x20];
	_ =	sdelay $0x4  }
0x56: {  	vm10 =	vlt.f32 v17, $2.000000000e+00  }
0x57: {  	v18 =	vsel vm10, $0x1, v0;
	v19 =	vmpcnt.ones.xlane vm10  }
0x58: {  	s14 =	spop (v2sf);
	(xrf0) =	vadd.scan.msk.s32 $0xffff, v18  }
0x59: {  	s13 =	sadd.s32 s14, s13;
	v18 =	vxor.u32 $0x80000000, v19  }
0x5a: {  	s13 =	sadd.s32 $0x80000000, s13;
	(xrf0) =	vmax.scan.msk.u32 $0xffff, v18  }
0x5b: {  	v18 =	vmov s13  }
0x5c: {  	v18 =	vadd.s32 $0xFFFFFFFF, v18  }
0x5d: {  	v18 =	vbroadcast v18, $0x0  }
0x5e: {  	v19, _, _ =	vpop (xrf0)  }
0x5f: {  	v18 =	vadd.s32 v19, v18  }
0x60: {  	v19, _, _ =	vpop (xrf0)  }
0x61: {  	(v2sf) =	vpush v19, $0xF;
	_ =	sdelay $0x2  }
0x62: {  	[tilespmem:v18+s9+$0x0] =	vst.idx.msk vm10, v17  }
0x63: {  	v17 =	vld [tilespmem:s12+$0x30];
	_ =	sdelay $0x4  }
0x64: {  	vm11 =	vlt.f32 v17, $2.000000000e+00  }
0x65: {  	v18 =	vmpcnt.ones.xlane vm11  }
0x66: {  	v19 =	vsel vm11, $0x1, v0  }
0x67: {  	(xrf0) =	vadd.scan.msk.s32 $0xffff, v19;
	v18 =	vxor.u32 $0x80000000, v18  }
0x68: {  	(xrf0) =	vmax.scan.msk.u32 $0xffff, v18;
	_ =	sdelay $0x1  }
0x69: {  	s25 =	spop (v2sf)  }
0x6a: {  	s13 =	sadd.s32 s25, s13  }
0x6b: {  	s13 =	sadd.s32 $0x80000000, s13  }
0x6c: {  	v18, _, _ =	vpop (xrf0);
	v19 =	vmov s13  }
0x6d: {  	v19 =	vadd.s32 $0xFFFFFFFF, v19;
	v61, _, _ =	vpop (xrf0)  }
0x6e: {  	v19 =	vbroadcast v19, $0x0;
	(v2sf) =	vpush v61, $0xF;
	_ =	sdelay $0x1  }
0x6f: {  	v18 =	vadd.s32 v18, v19;
	_ =	sdelay $0x4  }
0x70: {  	[tilespmem:v18+s9+$0x0] =	vst.idx.msk vm11, v17  }
0x71: {  	v17 =	vld [tilespmem:s12+$0x40];
	_ =	sdelay $0x4  }
0x72: {  	vm12 =	vlt.f32 v17, $2.000000000e+00  }
0x73: {  	v18 =	vsel vm12, $0x1, v0;
	v19 =	vmpcnt.ones.xlane vm12  }
0x74: {  	s26 =	spop (v2sf);
	(xrf0) =	vadd.scan.msk.s32 $0xffff, v18  }
0x75: {  	s13 =	sadd.s32 s26, s13;
	v18 =	vxor.u32 $0x80000000, v19  }
0x76: {  	s13 =	sadd.s32 $0x80000000, s13;
	(xrf0) =	vmax.scan.msk.u32 $0xffff, v18  }
0x77: {  	v18 =	vmov s13  }
0x78: {  	v18 =	vadd.s32 $0xFFFFFFFF, v18  }
0x79: {  	v18 =	vbroadcast v18, $0x0  }
0x7a: {  	v19, _, _ =	vpop (xrf0)  }
0x7b: {  	v18 =	vadd.s32 v19, v18  }
0x7c: {  	v19, _, _ =	vpop (xrf0)  }
0x7d: {  	(v2sf) =	vpush v19, $0xF;
	_ =	sdelay $0x2  }
0x7e: {  	[tilespmem:v18+s9+$0x0] =	vst.idx.msk vm12, v17  }
0x7f: {  	v17 =	vld [tilespmem:s12+$0x50];
	_ =	sdelay $0x4  }
0x80: {  	vm13 =	vlt.f32 v17, $2.000000000e+00  }
0x81: {  	v18 =	vmpcnt.ones.xlane vm13  }
0x82: {  	v19 =	vsel vm13, $0x1, v0  }
0x83: {  	(xrf0) =	vadd.scan.msk.s32 $0xffff, v19;
	v18 =	vxor.u32 $0x80000000, v18  }
0x84: {  	(xrf0) =	vmax.scan.msk.u32 $0xffff, v18;
	_ =	sdelay $0x1  }
0x85: {  	s28 =	spop (v2sf)  }
0x86: {  	s13 =	sadd.s32 s28, s13  }
0x87: {  	s13 =	sadd.s32 $0x80000000, s13  }
0x88: {  	v18, _, _ =	vpop (xrf0);
	v19 =	vmov s13  }
0x89: {  	v19 =	vadd.s32 $0xFFFFFFFF, v19;
	v62, _, _ =	vpop (xrf0)  }
0x8a: {  	v19 =	vbroadcast v19, $0x0;
	(v2sf) =	vpush v62, $0xF;
	_ =	sdelay $0x1  }
0x8b: {  	v18 =	vadd.s32 v18, v19;
	_ =	sdelay $0x4  }
0x8c: {  	[tilespmem:v18+s9+$0x0] =	vst.idx.msk vm13, v17  }
0x8d: {  	v17 =	vld [tilespmem:s12+$0x60];
	_ =	sdelay $0x4  }
0x8e: {  	vm14 =	vlt.f32 v17, $2.000000000e+00  }
0x8f: {  	v18 =	vsel vm14, $0x1, v0  }
0x90: {  	s29 =	spop (v2sf);
	(xrf0) =	vadd.scan.msk.s32 $0xffff, v18  }
0x91: {  	s13 =	sadd.s32 s29, s13  }
0x92: {  	s13 =	sadd.s32 $0x80000000, s13  }
0x93: {  	v18 =	vmov s13  }
0x94: {  	v18 =	vadd.s32 $0xFFFFFFFF, v18  }
0x95: {  	v18 =	vbroadcast v18, $0x0  }
0x96: {  	v19, _, _ =	vpop (xrf0)  }
0x97: {  	v18 =	vadd.s32 v19, v18;
	_ =	sdelay $0x4  }
0x98: {  	[tilespmem:v18+s9+$0x0] =	vst.idx.msk vm14, v17  }
0x99: {  	v19 =	vmpcnt.ones.xlane vm14;
	v18 =	vld [tilespmem:s12+$0x70];
	_ =	sdelay $0x1  }
0x9a: {  	v17 =	vxor.u32 $0x80000000, v19  }
0x9b: {  	(xrf0) =	vmax.scan.msk.u32 $0xffff, v17;
	_ =	sdelay $0x1  }
0x9c: {  	vm15 =	vlt.f32 v18, $2.000000000e+00  }
0x9d: {  	v17 =	vmpcnt.ones.xlane vm15  }
0x9e: {  	v63 =	vsel vm15, $0x1, v0  }
0x9f: {  	(xrf0) =	vadd.scan.msk.s32 $0xffff, v63;
	v17 =	vxor.u32 $0x80000000, v17  }
0xa0: {  	v19, _, _ =	vpop (xrf0);
	(xrf0) =	vmax.scan.msk.u32 $0xffff, v17;
	_ =	sdelay $0x2  }
0xa1: {  	(v2sf) =	vpush v19, $0xF;
	_ =	sdelay $0x1  }
0xa2: {  	v17, _, _ =	vpop (xrf0)  }
0xa3: {  	v19, _, _ =	vpop (xrf0)  }
0xa4: {  	(v2sf) =	vpush v19, $0xF;
	_ =	sdelay $0xa  }
0xa5: {  	s30 =	spop (v2sf)  }
0xa6: {  	s12 =	sadd.s32 s30, s13  }
0xa7: {  	s12 =	sadd.s32 $0x80000000, s12  }
0xa8: {  	v19 =	vmov s12  }
0xa9: {  	v19 =	vadd.s32 $0xFFFFFFFF, v19;
	s31 =	spop (v2sf)  }
0xaa: {  	v19 =	vbroadcast v19, $0x0;
	s12 =	sadd.s32 s31, s12  }
0xab: {  	s12 =	sadd.s32 $0x80000000, s12  }
0xac: {  	v17 =	vadd.s32 v17, v19;
	p0 =	slt.s32 s12, $0x1  }
.Ltmp4:
0xad: {  	_ = 	snop;
	(pc) =	sbr.rel @p0 .LBB2_9-.Ltmp4, $2  }
0xae: {  	_ =	sdelay $0x2  }
0xaf: {  	s14 =	simm.s32 $0x0;
	[tilespmem:v17+s9+$0x0] =	vst.idx.msk vm15, v18  }
0xb0: {  	p1 =	sgt.s32 s12, $0x1  }
.Ltmp5:
0xb1: {  	_ = 	snop;
	(pc) =	sbr.rel @!p1 .LBB2_4-.Ltmp5, $2  }
0xb2: {  	_ =	sdelay $0x2  }
0xb3: {  	s13 =	simm.s32 $0x1;
	v26 =	vmov s14;
	p0 =	por $0x0, $0x0  }
0xb4: {  	_ =	sdelay $0x3  }
0xb5: {  	v17 =	vld.idx.msk [tilespmem:v26+s9+$0x0], $0xffff;
	_ =	sdelay $0x3  }
0xb6: {  	p1 =	sgt.s32 s12, $0x2  }
.Ltmp6:
0xb7: {  	v26 =	vmov s13;
	v18 =	vsub.f32 v16, v17;
	(pc) =	sbr.rel @!p1 .LBB2_6-.Ltmp6, $4  }
0xb8: {  	_ = 	snop  }
0xb9: {  	v20 =	vmov v6;
	v21 =	vmov v3  }
0xba: {  	v19 =	vmovc v2;
	v23 =	vmovc v8;
	v22 =	vmov v5;
	v24 =	vmov v1;
	v29 =	vsub.f32 v13, v17  }
0xbb: {  	s13 =	simm.s32 $0x2;
	p0 =	por $0x1, $0x1;
	v25 =	vmovc v7;
	v28 =	vsub.f32 v14, v17;
	v27 =	vsub.f32 v15, v17;
	v30 =	vmax.f32 v18, $0.0e+00;
	v18 =	vmovc v4  }
.LBB2_7:
0xbc: {  	v31 =	vld.idx.msk [tilespmem:v26+s9+$0x0], $0xffff;
	v18 =	vadd.f32 v30, v18;
	v26 =	vmax.f32 v29, $0.0e+00;
	v29 =	vsub.f32 v12, v17;
	s14 =	smov.u32 s13;
	s13 =	sadd.s32 $0x1, s13  }
0xbd: {  	v28 =	vmax.f32 v28, $0.0e+00;
	p1 =	slt.s32 s13, s12;
	v20 =	vadd.f32 v26, v20;
	v26 =	vsub.f32 v10, v17  }
0xbe: {  	v30 =	vsub.f32 v9, v17;
	v27 =	vmax.f32 v27, $0.0e+00;
	v21 =	vadd.f32 v28, v21  }
0xbf: {  	v32 =	vsub.f32 v11, v17;
	v29 =	vmax.f32 v29, $0.0e+00;
	v28 =	vmax.f32 v26, $0.0e+00  }
.Ltmp7:
0xc0: {  	v30 =	vmax.f32 v30, $0.0e+00;
	v26 =	vmov s14;
	v19 =	vadd.f32 v29, v19;
	(pc) =	sbr.rel @p1 .LBB2_7-.Ltmp7, $4  }
0xc1: {  	v22 =	vadd.f32 v27, v22;
	v23 =	vadd.f32 v28, v23;
	v28 =	vmax.f32 v32, $0.0e+00  }
0xc2: {  	v27 =	vsub.f32 v16, v31;
	v24 =	vadd.f32 v28, v24;
	v17 =	vmov v31  }
0xc3: {  	v25 =	vadd.f32 v30, v25;
	v29 =	vsub.f32 v13, v17  }
0xc4: {  	v28 =	vsub.f32 v14, v17;
	v30 =	vmax.f32 v27, $0.0e+00;
	v27 =	vsub.f32 v15, v17  }
.Ltmp8:
0xc5: {  	_ = 	snop;
	(pc) =	sbr.rel .LBB2_8-.Ltmp8, $1  }
0xc6: {  	_ =	sdelay $0x3  }
.LBB2_6:
.Ltmp9:
0xc7: {  	(pc) =	sbr.rel .LBB2_8-.Ltmp9, $3  }
0xc8: {  	_ =	sdelay $0x1  }
0xc9: {  	v18 =	vmov v4;
	v20 =	vmov v6;
	v21 =	vmov v3  }
0xca: {  	v19 =	vmovc v2;
	v23 =	vmovc v8;
	v22 =	vmov v5;
	v24 =	vmov v1;
	v25 =	vmov v7  }
.LBB2_11:
0xcb: {  	_ =	sfence.sel $0x180000  }
0xcc: {  	[bflag:$0x0] =	sbarrier.arrive $0xFFFF  }
0xcd: {  	p0 =	sne.s32 s1, $0x0;
	_ =	strace $0x90000047  }
0xce: {  	s0 =	sadd.s32 @!p0 $0x100000, s0;
	[bflag:$0x2] =	sbarrier.arrive $0xFFFF  }
0xcf: {  	[sflag:s0] =	ssyncadd.tile.s32 @!p0 $0x1;
	_ =	shalt  }
.Lfunc_end2:
_tile_overlayer_lowered:
.L_overlay_start_2:
0xd0: {  	(tag) =	ssettag $0x2  }
0xd1: {  	s0 =	rddreg [dreg:$0x0];
	s2 =	stileid.u32  }
0xd2: {  	s1 =	rddreg [dreg:$0x1];
	p0 =	sne.s32 s2, $0x0  }
0xd3: {  	s3 =	rddreg [dreg:$0x2];
	[bflag:$0x3] =	sbarrier.arrive $0xFFFF;
	s2 =	simm.s32 @!p0 $0x1C01  }
0xd4: {  	[timem:s3], [sflag:s2] =	dma.local @!p0 [hbm:s0], s1  }
0xd5: {  	s0 =	simm.s32 @!p0 $0x1  }
0xd6: {  	_ =	swait.ge @!p0 [sflag:s0], s1  }
0xd7: {  	s1 =	ssub.s32 @!p0 $0x0, s1;
	[sflag:s0] =	ssyncset.done @!p0 $0x0  }
0xd8: {  	[sflag:s0] =	ssyncadd.s32 @!p0 s1  }
0xd9: {  	[bflag:$0x3] =	sbarrier.arrive $0xFFFF  }
0xda: {  	_ =	shalt  }

</sc_bundles>
